<compile_context>
chip_gen: v7x
topology: tpu7x:2x2x1
jax: 0.10.2.dev20260603
libtpu: 0.0.44.dev20260713+nightly
codegen_flags: <defaults>
</compile_context>

<pallas_src>
import functools

import jax
import jax.numpy as jnp
from jax import lax
from jax.experimental import pallas as pl
from jax.experimental.pallas import tpu as pltpu
from jax.experimental.pallas import tpu_sc as plsc

V = 1000
B = 1024
T = 50
N_TOK = B * T

_NC = 2
_NS = 16
_L = 16
_NW = _NC * _NS

_C8 = V // 8
_UNITS = T * _C8
_ROWS_PER_T = V * 8
_BG = B // _L


def _lse_body(table_ref, out_ref):
    x = table_ref[...]
    m = jnp.max(x, axis=1, keepdims=True)
    s = jnp.sum(jnp.exp(x - m), axis=1, keepdims=True)
    out_ref[...] = m + jnp.log(s)


def _row_logsumexp(table):
    return pl.pallas_call(
        _lse_body,
        out_shape=jax.ShapeDtypeStruct((table.shape[0], 1), jnp.float32),
    )(table)


def _sc_transposed_gather(ctxT_flat, tgtT_flat, tT128, table_flat, lse):
    per_w = N_TOK // _NW
    n_grp = per_w // _L

    mesh = plsc.VectorSubcoreMesh(core_axis_name="c", subcore_axis_name="s")

    @functools.partial(
        pl.kernel,
        out_type=[
            jax.ShapeDtypeStruct((T * _ROWS_PER_T, 128), jnp.float32),
            jax.ShapeDtypeStruct((_NW * _L,), jnp.float32),
        ],
        mesh=mesh,
        compiler_params=pltpu.CompilerParams(
            needs_layout_passes=False, use_tc_tiling_on_sc=True),
        scratch_types=[
            pltpu.VMEM((N_TOK,), jnp.int32),
            pltpu.VMEM((per_w,), jnp.int32),
            pltpu.VMEM((per_w,), jnp.int32),
            pltpu.VMEM((per_w,), jnp.float32),
            pltpu.VMEM((V,), jnp.float32),
            pltpu.VMEM((64, 128), jnp.float32),
            [pltpu.VMEM((64, 128), jnp.float32)] * 2,
            pltpu.VMEM((_L,), jnp.float32),
            pltpu.SemaphoreType.DMA,
            pltpu.SemaphoreType.DMA,
            [pltpu.SemaphoreType.DMA] * 2,
        ],
    )
    def k(ctx_hbm, tgt_hbm, tt_hbm, tflat_hbm, lse_hbm,
          out_hbm, part_hbm,
          ctx_v, tgt_v, fidx, picked, lse_v, strip, slabs, part_v,
          psem, stsem, ssem):
        wid = lax.axis_index("s") * _NC + lax.axis_index("c")
        base = wid * per_w
        pltpu.sync_copy(ctx_hbm, ctx_v)
        pltpu.sync_copy(tgt_hbm.at[pl.ds(base, per_w)], tgt_v)
        pltpu.sync_copy(lse_hbm, lse_v)

        def build(i, _):
            c = ctx_v[pl.ds(base + i * _L, _L)]
            t = tgt_v[pl.ds(i * _L, _L)]
            fidx[pl.ds(i * _L, _L)] = c * V + t
            return 0
        lax.fori_loop(0, n_grp, build, 0)
        pltpu.async_copy(tflat_hbm.at[fidx], picked, psem)

        u_lo = _UNITS * wid // _NW
        u_hi = _UNITS * (wid + 1) // _NW
        c8_lo = u_lo // T
        c8_hi = (u_hi - 1) // T

        def build_slab(t, c8, j):
            @plsc.parallel_loop(0, _BG, unroll=4)
            def bg_body(bg):
                ctx16 = ctx_v[pl.ds(t * B + bg * _L, _L)]
                hi = jnp.right_shift(ctx16, 7)
                lo = jnp.bitwise_and(ctx16, 127)
                tb = bg // 8
                col = (bg % 8) * _L
                for c_loc in range(8):
                    val = plsc.load_gather(strip, [hi + (c_loc * 8), lo])
                    slabs[j][tb * 8 + c_loc, pl.ds(col, _L)] = val

        def c8_body(c8, _):
            pltpu.async_copy(tt_hbm.at[pl.ds(c8 * 64, 64)], strip, stsem)
            t_lo = jnp.maximum(u_lo - c8 * T, 0)
            t_hi = jnp.minimum(u_hi - c8 * T, T)
            pltpu.make_async_copy(
                tt_hbm.at[pl.ds(0, 64)], strip, stsem).wait()

            def t_body(p, _):
                for j in range(2):
                    i = p * 2 + j
                    t = t_lo + i

                    @pl.when(t < t_hi)
                    def _():
                        @pl.when(i >= 2)
                        def _():
                            pltpu.make_async_copy(
                                slabs[j], out_hbm.at[pl.ds(0, 64)],
                                ssem[j]).wait()
                        build_slab(t, c8, j)
                        pltpu.async_copy(
                            slabs[j],
                            out_hbm.at[pl.ds(t * _ROWS_PER_T + c8 * 64, 64)],
                            ssem[j])
                return 0
            n_t = t_hi - t_lo
            lax.fori_loop(0, (T + 1) // 2, t_body, 0)
            @pl.when(n_t >= 2)
            def _():
                pltpu.make_async_copy(
                    slabs[0], out_hbm.at[pl.ds(0, 64)], ssem[0]).wait()
                pltpu.make_async_copy(
                    slabs[1], out_hbm.at[pl.ds(0, 64)], ssem[1]).wait()
            @pl.when(n_t == 1)
            def _():
                pltpu.make_async_copy(
                    slabs[0], out_hbm.at[pl.ds(0, 64)], ssem[0]).wait()
            return 0

        lax.fori_loop(c8_lo, c8_hi + 1, c8_body, 0)

        pltpu.make_async_copy(tflat_hbm.at[fidx], picked, psem).wait()

        def acc_body(i, acc):
            c = ctx_v[pl.ds(base + i * _L, _L)]
            lse_g = plsc.load_gather(lse_v, [c])
            p = picked[pl.ds(i * _L, _L)]
            return acc + (lse_g - p)

        acc = lax.fori_loop(0, n_grp, acc_body, jnp.zeros((_L,), jnp.float32))
        part_v[...] = acc
        pltpu.sync_copy(part_v, part_hbm.at[pl.ds(wid * _L, _L)])

    return k(ctxT_flat, tgtT_flat, tT128, table_flat, lse)


def kernel(batched_context, batched_targets, table):
    b, t = batched_context.shape
    ctxT_flat = batched_context.astype(jnp.int32).T.reshape(-1)
    tgtT_flat = batched_targets.astype(jnp.int32).T.reshape(-1)
    tT_pad = jnp.pad(table.T, ((0, 0), (0, 24)))
    tT128 = tT_pad.reshape(V * 8, 128)
    table_flat = jnp.concatenate(
        [table.reshape(-1), jnp.zeros((8,), jnp.float32)])

    lse = _row_logsumexp(table)[:, 0]

    out128, part = _sc_transposed_gather(
        ctxT_flat, tgtT_flat, tT128, table_flat, lse)
    out5 = out128.reshape(T, _C8, 8, 8, 128)
    logits = out5.transpose(2, 4, 0, 1, 3).reshape(b, t, V)
    loss = jnp.sum(part) / (b * t)
    return (logits, loss)

# --- scband reference (transcript-rebuilt; emitter-appended) ---
"""Pipeline reference for scband-intuinistic-language-model-29772713295906 (READ-ONLY COPY).

The authoritative reference and input builder live on the scoring server;
editing this copy changes nothing except your own understanding.
"""

import jax, jax.numpy as jnp
import numpy as np

VOCAB = 1000
B = 1024
T = 50

def setup_inputs(seed: int = 0) -> dict:
    key = jax.random.key(seed)
    k1, k2, k3 = jax.random.split(key, 3)
    batched_context = jax.random.randint(k1, (B, T), 0, VOCAB, dtype=jnp.int64) if jax.config.jax_enable_x64 else jax.random.randint(k1, (B, T), 0, VOCAB, dtype=jnp.int32)
    batched_targets = jax.random.randint(k2, (B, T), 0, VOCAB, dtype=jnp.int64) if jax.config.jax_enable_x64 else jax.random.randint(k2, (B, T), 0, VOCAB, dtype=jnp.int32)
    # learned parameter: token embedding table (nn.Embedding(vocab_size, vocab_size))
    table = jax.random.normal(k3, (VOCAB, VOCAB), dtype=jnp.float32)
    return {"batched_context": batched_context, "batched_targets": batched_targets, "table": table}

def reference(batched_context, batched_targets, table):
    # logits = embedding lookup: [B, T] -> [B, T, C]
    batched_logits = jnp.take(table, batched_context, axis=0)
    Bb, Tt, C = batched_logits.shape
    flattened_logits = batched_logits.reshape(Bb * Tt, C)
    flattened_targets = batched_targets.reshape(Bb * Tt)
    # F.cross_entropy with mean reduction
    logp = jax.nn.log_softmax(flattened_logits, axis=-1)
    picked = jnp.take_along_axis(logp, flattened_targets[:, None], axis=1)[:, 0]
    loss = -jnp.mean(picked)
    return (batched_logits, loss)

if __name__ == "__main__":
    import jax
    _d = setup_inputs()
    print(jax.jit(kernel)(*tuple(_d.values())))

</pallas_src>

<mosaic_0001>
#map = affine_map<(d0, d1) -> (0)>
#map1 = affine_map<(d0, d1) -> (0, 0)>
module attributes {stable_mosaic.version = 14 : i64} {
  func.func @k(%arg0: i32, %arg1: i32, %arg2: memref<51200xi32, #tpu.memory_space<hbm>>, %arg3: memref<51200xi32, #tpu.memory_space<hbm>>, %arg4: memref<8000x128xf32, #tpu.memory_space<hbm>>, %arg5: memref<1000008xf32, #tpu.memory_space<hbm>>, %arg6: memref<1000xf32, #tpu.memory_space<hbm>>, %arg7: memref<400000x128xf32, #tpu.memory_space<hbm>>, %arg8: memref<512xf32, #tpu.memory_space<hbm>>, %arg9: memref<51200xi32, #tpu.memory_space<vmem>>, %arg10: memref<1600xi32, #tpu.memory_space<vmem>>, %arg11: memref<1600xi32, #tpu.memory_space<vmem>>, %arg12: memref<1600xf32, #tpu.memory_space<vmem>>, %arg13: memref<1000xf32, #tpu.memory_space<vmem>>, %arg14: memref<64x128xf32, #tpu.memory_space<vmem>>, %arg15: memref<64x128xf32, #tpu.memory_space<vmem>>, %arg16: memref<64x128xf32, #tpu.memory_space<vmem>>, %arg17: memref<16xf32, #tpu.memory_space<vmem>>, %arg18: memref<!tpu.dma_semaphore, #tpu.memory_space<semaphore_mem>>, %arg19: memref<!tpu.dma_semaphore, #tpu.memory_space<semaphore_mem>>, %arg20: memref<!tpu.dma_semaphore, #tpu.memory_space<semaphore_mem>>, %arg21: memref<!tpu.dma_semaphore, #tpu.memory_space<semaphore_mem>>) attributes {dimension_semantics = [#tpu.dimension_semantics<core_parallel>, #tpu.dimension_semantics<subcore_parallel>], iteration_bounds = array<i64: 2, 16>, scalar_prefetch = 0 : i64, scratch_operands = 13 : i64, tpu.core_type = #tpu.core_type<sc_vector_subcore>, window_params = [{transform_indices = #map}, {transform_indices = #map}, {transform_indices = #map1}, {transform_indices = #map}, {transform_indices = #map}, {transform_indices = #map1}, {transform_indices = #map}]} {
    %mul3A = arith.constant 2 : i32
    %mul3A_0 = arith.muli %arg1, %mul3A : i32
    %add3A = arith.addi %mul3A_0, %arg0 : i32
    %mul3A_1 = arith.constant 1600 : i32
    %mul3A_2 = arith.muli %add3A, %mul3A_1 : i32
    "tpu.region"() ({
      %run_scoped3A = tpu.sem_alloc : memref<!tpu.dma_semaphore, #tpu.memory_space<semaphore_mem>>
      tpu.enqueue_dma source(%arg2 : memref<51200xi32, #tpu.memory_space<hbm>>) target(%arg9 : memref<51200xi32, #tpu.memory_space<vmem>>) target_semaphore(%run_scoped3A : memref<!tpu.dma_semaphore, #tpu.memory_space<semaphore_mem>>)
      tpu.wait_dma2 semaphore(%run_scoped3A : memref<!tpu.dma_semaphore, #tpu.memory_space<semaphore_mem>>) src(%arg2 : memref<51200xi32, #tpu.memory_space<hbm>>) dst(%arg9 : memref<51200xi32, #tpu.memory_space<vmem>>)
      tpu.yield
    }) : () -> ()
    "tpu.region"() ({
      %run_scoped3A = tpu.sem_alloc : memref<!tpu.dma_semaphore, #tpu.memory_space<semaphore_mem>>
      %dma_start3A_129 = tpu.memref_slice %arg3[%mul3A_2] : memref<51200xi32, #tpu.memory_space<hbm>> -> memref<1600xi32, #tpu.memory_space<hbm>>
      %dma_start3A_130 = tpu.memref_slice %arg3[%mul3A_2] : memref<51200xi32, #tpu.memory_space<hbm>> -> memref<1600xi32, #tpu.memory_space<hbm>>
      tpu.enqueue_dma source(%dma_start3A_130 : memref<1600xi32, #tpu.memory_space<hbm>>) target(%arg10 : memref<1600xi32, #tpu.memory_space<vmem>>) target_semaphore(%run_scoped3A : memref<!tpu.dma_semaphore, #tpu.memory_space<semaphore_mem>>)
      %dma_wait3A_131 = tpu.memref_slice %arg3[%mul3A_2] : memref<51200xi32, #tpu.memory_space<hbm>> -> memref<1600xi32, #tpu.memory_space<hbm>>
      %dma_wait3A_132 = tpu.memref_slice %arg3[%mul3A_2] : memref<51200xi32, #tpu.memory_space<hbm>> -> memref<1600xi32, #tpu.memory_space<hbm>>
      tpu.wait_dma2 semaphore(%run_scoped3A : memref<!tpu.dma_semaphore, #tpu.memory_space<semaphore_mem>>) src(%dma_wait3A_132 : memref<1600xi32, #tpu.memory_space<hbm>>) dst(%arg10 : memref<1600xi32, #tpu.memory_space<vmem>>)
      tpu.yield
    }) : () -> ()
    "tpu.region"() ({
      %run_scoped3A = tpu.sem_alloc : memref<!tpu.dma_semaphore, #tpu.memory_space<semaphore_mem>>
      tpu.enqueue_dma source(%arg6 : memref<1000xf32, #tpu.memory_space<hbm>>) target(%arg13 : memref<1000xf32, #tpu.memory_space<vmem>>) target_semaphore(%run_scoped3A : memref<!tpu.dma_semaphore, #tpu.memory_space<semaphore_mem>>)
      tpu.wait_dma2 semaphore(%run_scoped3A : memref<!tpu.dma_semaphore, #tpu.memory_space<semaphore_mem>>) src(%arg6 : memref<1000xf32, #tpu.memory_space<hbm>>) dst(%arg13 : memref<1000xf32, #tpu.memory_space<vmem>>)
      tpu.yield
    }) : () -> ()
    %scan3A = arith.constant 0 : i32
    %scan3A_3 = arith.constant 0 : i32
    %scan3A_4 = arith.constant 100 : i32
    %scan3A_5 = arith.addi %scan3A_3, %scan3A_4 : i32
    %scan3A_6 = arith.constant 1 : i32
    %scan3A_7 = scf.for %scan3A_129 = %scan3A_3 to %scan3A_5 step %scan3A_6 iter_args(%scan3A_130 = %scan3A) -> (i32)  : i32 {
      %mul3A_131 = arith.constant 16 : i32
      %mul3A_132 = arith.muli %scan3A_129, %mul3A_131 : i32
      %add3A_133 = arith.addi %mul3A_2, %mul3A_132 : i32
      %get3A = arith.index_cast %add3A_133 : i32 to index
      %get3A_134 = tpu.vector_load %arg9[%get3A] {strides = array<i32>} : memref<51200xi32, #tpu.memory_space<vmem>>, vector<16xi32>,
      %mul3A_135 = arith.constant 16 : i32
      %mul3A_136 = arith.muli %scan3A_129, %mul3A_135 : i32
      %get3A_137 = arith.index_cast %mul3A_136 : i32 to index
      %get3A_138 = tpu.vector_load %arg10[%get3A_137] {strides = array<i32>} : memref<1600xi32, #tpu.memory_space<vmem>>, vector<16xi32>,
      %mul3A_139 = arith.constant 1000 : i32
      %mul3A_140 = vector.broadcast %mul3A_139 : i32 to vector<16xi32>
      %mul3A_141 = arith.muli %get3A_134, %mul3A_140 : vector<16xi32>
      %add3A_142 = arith.addi %mul3A_141, %get3A_138 : vector<16xi32>
      %mul3A_143 = arith.constant 16 : i32
      %mul3A_144 = arith.muli %scan3A_129, %mul3A_143 : i32
      %swap3A_145 = arith.index_cast %mul3A_144 : i32 to index
      %swap3A_146 = tpu.vector_load %arg11[%swap3A_145] {strides = array<i32>} : memref<1600xi32, #tpu.memory_space<vmem>>, vector<16xi32>,
      tpu.vector_store %arg11[%swap3A_145], %add3A_142 {strides = array<i32>} : memref<1600xi32, #tpu.memory_space<vmem>>, vector<16xi32>,
      %scan3A_147 = arith.constant 0 : i32
      scf.yield %scan3A_147 : i32
    }
    %scan3A_8 = arith.constant 100 : i32
    %dma_start3A = arith.constant 0 : i32
    %dma_start3A_9 = tpu.memref_slice %arg5[%dma_start3A] : memref<1000008xf32, #tpu.memory_space<hbm>> -> memref<1000008xf32, #tpu.memory_space<hbm>>
    tpu.enqueue_indirect_dma source(%dma_start3A_9 : memref<1000008xf32, #tpu.memory_space<hbm>>) target(%arg12 : memref<1600xf32, #tpu.memory_space<vmem>>) offsets(%arg11 : memref<1600xi32, #tpu.memory_space<vmem>>) semaphore(%arg18 : memref<!tpu.dma_semaphore, #tpu.memory_space<semaphore_mem>>)
    %mul3A_10 = arith.constant 6250 : i32
    %mul3A_11 = arith.muli %mul3A_10, %add3A : i32
    %jit3A = arith.constant 32 : i32
    %div3A = arith.divsi %mul3A_11, %jit3A : i32
    %sign3A = arith.constant 0 : i32
    %sign3A_12 = arith.cmpi sgt, %mul3A_11, %sign3A : i32
    %sign3A_13 = arith.extui %sign3A_12 : i1 to i32
    %sign3A_14 = arith.constant 0 : i32
    %sign3A_15 = arith.cmpi slt, %mul3A_11, %sign3A_14 : i32
    %sign3A_16 = arith.extui %sign3A_15 : i1 to i32
    %sign3A_17 = arith.subi %sign3A_13, %sign3A_16 : i32
    %sign3A_18 = arith.constant 0 : i32
    %sign3A_19 = arith.cmpi sgt, %jit3A, %sign3A_18 : i32
    %sign3A_20 = arith.extui %sign3A_19 : i1 to i32
    %sign3A_21 = arith.constant 0 : i32
    %sign3A_22 = arith.cmpi slt, %jit3A, %sign3A_21 : i32
    %sign3A_23 = arith.extui %sign3A_22 : i1 to i32
    %sign3A_24 = arith.subi %sign3A_20, %sign3A_23 : i32
    %ne3A = arith.cmpi ne, %sign3A_17, %sign3A_24 : i32
    %rem3A = arith.remsi %mul3A_11, %jit3A : i32
    %ne3A_25 = arith.constant 0 : i32
    %ne3A_26 = arith.cmpi ne, %rem3A, %ne3A_25 : i32
    %and3A = arith.andi %ne3A, %ne3A_26 : i1
    %sub3A = arith.constant 1 : i32
    %sub3A_27 = arith.subi %div3A, %sub3A : i32
    %select_n3A = arith.select %and3A, %sub3A_27, %div3A : i32
    %add3A_28 = arith.constant 1 : i32
    %add3A_29 = arith.addi %add3A, %add3A_28 : i32
    %mul3A_30 = arith.constant 6250 : i32
    %mul3A_31 = arith.muli %mul3A_30, %add3A_29 : i32
    %jit3A_32 = arith.constant 32 : i32
    %div3A_33 = arith.divsi %mul3A_31, %jit3A_32 : i32
    %sign3A_34 = arith.constant 0 : i32
    %sign3A_35 = arith.cmpi sgt, %mul3A_31, %sign3A_34 : i32
    %sign3A_36 = arith.extui %sign3A_35 : i1 to i32
    %sign3A_37 = arith.constant 0 : i32
    %sign3A_38 = arith.cmpi slt, %mul3A_31, %sign3A_37 : i32
    %sign3A_39 = arith.extui %sign3A_38 : i1 to i32
    %sign3A_40 = arith.subi %sign3A_36, %sign3A_39 : i32
    %sign3A_41 = arith.constant 0 : i32
    %sign3A_42 = arith.cmpi sgt, %jit3A_32, %sign3A_41 : i32
    %sign3A_43 = arith.extui %sign3A_42 : i1 to i32
    %sign3A_44 = arith.constant 0 : i32
    %sign3A_45 = arith.cmpi slt, %jit3A_32, %sign3A_44 : i32
    %sign3A_46 = arith.extui %sign3A_45 : i1 to i32
    %sign3A_47 = arith.subi %sign3A_43, %sign3A_46 : i32
    %ne3A_48 = arith.cmpi ne, %sign3A_40, %sign3A_47 : i32
    %rem3A_49 = arith.remsi %mul3A_31, %jit3A_32 : i32
    %ne3A_50 = arith.constant 0 : i32
    %ne3A_51 = arith.cmpi ne, %rem3A_49, %ne3A_50 : i32
    %and3A_52 = arith.andi %ne3A_48, %ne3A_51 : i1
    %sub3A_53 = arith.constant 1 : i32
    %sub3A_54 = arith.subi %div3A_33, %sub3A_53 : i32
    %select_n3A_55 = arith.select %and3A_52, %sub3A_54, %div3A_33 : i32
    %jit3A_56 = arith.constant 50 : i32
    %div3A_57 = arith.divsi %select_n3A, %jit3A_56 : i32
    %sign3A_58 = arith.constant 0 : i32
    %sign3A_59 = arith.cmpi sgt, %select_n3A, %sign3A_58 : i32
    %sign3A_60 = arith.extui %sign3A_59 : i1 to i32
    %sign3A_61 = arith.constant 0 : i32
    %sign3A_62 = arith.cmpi slt, %select_n3A, %sign3A_61 : i32
    %sign3A_63 = arith.extui %sign3A_62 : i1 to i32
    %sign3A_64 = arith.subi %sign3A_60, %sign3A_63 : i32
    %sign3A_65 = arith.constant 0 : i32
    %sign3A_66 = arith.cmpi sgt, %jit3A_56, %sign3A_65 : i32
    %sign3A_67 = arith.extui %sign3A_66 : i1 to i32
    %sign3A_68 = arith.constant 0 : i32
    %sign3A_69 = arith.cmpi slt, %jit3A_56, %sign3A_68 : i32
    %sign3A_70 = arith.extui %sign3A_69 : i1 to i32
    %sign3A_71 = arith.subi %sign3A_67, %sign3A_70 : i32
    %ne3A_72 = arith.cmpi ne, %sign3A_64, %sign3A_71 : i32
    %rem3A_73 = arith.remsi %select_n3A, %jit3A_56 : i32
    %ne3A_74 = arith.constant 0 : i32
    %ne3A_75 = arith.cmpi ne, %rem3A_73, %ne3A_74 : i32
    %and3A_76 = arith.andi %ne3A_72, %ne3A_75 : i1
    %sub3A_77 = arith.constant 1 : i32
    %sub3A_78 = arith.subi %div3A_57, %sub3A_77 : i32
    %select_n3A_79 = arith.select %and3A_76, %sub3A_78, %div3A_57 : i32
    %sub3A_80 = arith.constant 1 : i32
    %sub3A_81 = arith.subi %select_n3A_55, %sub3A_80 : i32
    %jit3A_82 = arith.constant 50 : i32
    %div3A_83 = arith.divsi %sub3A_81, %jit3A_82 : i32
    %sign3A_84 = arith.constant 0 : i32
    %sign3A_85 = arith.cmpi sgt, %sub3A_81, %sign3A_84 : i32
    %sign3A_86 = arith.extui %sign3A_85 : i1 to i32
    %sign3A_87 = arith.constant 0 : i32
    %sign3A_88 = arith.cmpi slt, %sub3A_81, %sign3A_87 : i32
    %sign3A_89 = arith.extui %sign3A_88 : i1 to i32
    %sign3A_90 = arith.subi %sign3A_86, %sign3A_89 : i32
    %sign3A_91 = arith.constant 0 : i32
    %sign3A_92 = arith.cmpi sgt, %jit3A_82, %sign3A_91 : i32
    %sign3A_93 = arith.extui %sign3A_92 : i1 to i32
    %sign3A_94 = arith.constant 0 : i32
    %sign3A_95 = arith.cmpi slt, %jit3A_82, %sign3A_94 : i32
    %sign3A_96 = arith.extui %sign3A_95 : i1 to i32
    %sign3A_97 = arith.subi %sign3A_93, %sign3A_96 : i32
    %ne3A_98 = arith.cmpi ne, %sign3A_90, %sign3A_97 : i32
    %rem3A_99 = arith.remsi %sub3A_81, %jit3A_82 : i32
    %ne3A_100 = arith.constant 0 : i32
    %ne3A_101 = arith.cmpi ne, %rem3A_99, %ne3A_100 : i32
    %and3A_102 = arith.andi %ne3A_98, %ne3A_101 : i1
    %sub3A_103 = arith.constant 1 : i32
    %sub3A_104 = arith.subi %div3A_83, %sub3A_103 : i32
    %select_n3A_105 = arith.select %and3A_102, %sub3A_104, %div3A_83 : i32
    %add3A_106 = arith.constant 1 : i32
    %add3A_107 = arith.addi %select_n3A_105, %add3A_106 : i32
    %while3A = arith.constant 0 : i32
    %while3A_108 = arith.subi %add3A_107, %select_n3A_79 : i32
    %while3A_109 = arith.addi %select_n3A_79, %while3A_108 : i32
    %while3A_110 = arith.constant 1 : i32
    %while3A_111 = arith.divsi %while3A_108, %while3A_110 : i32
    %while3A_112 = arith.muli %while3A_111, %while3A_110 : i32
    %while3A_113 = arith.addi %select_n3A_79, %while3A_112 : i32
    %while3A_114 = arith.constant 1 : i32
    %while3A_115 = scf.for %while3A_129 = %select_n3A_79 to %while3A_113 step %while3A_114 iter_args(%while3A_130 = %while3A) -> (i32)  : i32 {
      %mul3A_131 = arith.constant 64 : i32
      %mul3A_132 = arith.muli %while3A_129, %mul3A_131 : i32
      %dma_start3A_133 = arith.constant 0 : i32
      %dma_start3A_134 = tpu.memref_slice %arg4[%mul3A_132, %dma_start3A_133] : memref<8000x128xf32, #tpu.memory_space<hbm>> -> memref<64x128xf32, #tpu.memory_space<hbm>>
      %dma_start3A_135 = arith.constant 0 : i32
      %dma_start3A_136 = tpu.memref_slice %arg4[%mul3A_132, %dma_start3A_135] : memref<8000x128xf32, #tpu.memory_space<hbm>> -> memref<64x128xf32, #tpu.memory_space<hbm>>
      tpu.enqueue_dma source(%dma_start3A_136 : memref<64x128xf32, #tpu.memory_space<hbm>>) target(%arg14 : memref<64x128xf32, #tpu.memory_space<vmem>>) target_semaphore(%arg19 : memref<!tpu.dma_semaphore, #tpu.memory_space<semaphore_mem>>)
      %mul3A_137 = arith.constant 50 : i32
      %mul3A_138 = arith.muli %while3A_129, %mul3A_137 : i32
      %sub3A_139 = arith.subi %select_n3A, %mul3A_138 : i32
      %max3A = arith.constant 0 : i32
      %max3A_140 = arith.maxsi %sub3A_139, %max3A : i32
      %mul3A_141 = arith.constant 50 : i32
      %mul3A_142 = arith.muli %while3A_129, %mul3A_141 : i32
      %sub3A_143 = arith.subi %select_n3A_55, %mul3A_142 : i32
      %min3A = arith.constant 50 : i32
      %min3A_144 = arith.minsi %sub3A_143, %min3A : i32
      %dma_wait3A_145 = arith.constant 0 : i32
      %dma_wait3A_146 = arith.constant 0 : i32
      %dma_wait3A_147 = tpu.memref_slice %arg4[%dma_wait3A_145, %dma_wait3A_146] : memref<8000x128xf32, #tpu.memory_space<hbm>> -> memref<64x128xf32, #tpu.memory_space<hbm>>
      %dma_wait3A_148 = arith.constant 0 : i32
      %dma_wait3A_149 = arith.constant 0 : i32
      %dma_wait3A_150 = tpu.memref_slice %arg4[%dma_wait3A_148, %dma_wait3A_149] : memref<8000x128xf32, #tpu.memory_space<hbm>> -> memref<64x128xf32, #tpu.memory_space<hbm>>
      tpu.wait_dma2 semaphore(%arg19 : memref<!tpu.dma_semaphore, #tpu.memory_space<semaphore_mem>>) src(%dma_wait3A_150 : memref<64x128xf32, #tpu.memory_space<hbm>>) dst(%arg14 : memref<64x128xf32, #tpu.memory_space<vmem>>)
      %sub3A_151 = arith.subi %min3A_144, %max3A_140 : i32
      %scan3A_152 = arith.constant 0 : i32
      %scan3A_153 = arith.constant 0 : i32
      %scan3A_154 = arith.constant 25 : i32
      %scan3A_155 = arith.addi %scan3A_153, %scan3A_154 : i32
      %scan3A_156 = arith.constant 1 : i32
      %scan3A_157 = scf.for %scan3A_166 = %scan3A_153 to %scan3A_155 step %scan3A_156 iter_args(%scan3A_167 = %scan3A_152) -> (i32)  : i32 {
        %mul3A_168 = arith.constant 2 : i32
        %mul3A_169 = arith.muli %scan3A_166, %mul3A_168 : i32
        %add3A_170 = arith.constant 0 : i32
        %add3A_171 = arith.addi %mul3A_169, %add3A_170 : i32
        %add3A_172 = arith.addi %max3A_140, %add3A_171 : i32
        %lt3A = arith.cmpi slt, %add3A_172, %min3A_144 : i32
        %convert_element_type3A_173 = arith.extui %lt3A : i1 to i32
        %cond3A_174 = arith.constant 0 : i32
        %cond3A_175 = arith.cmpi ne, %convert_element_type3A_173, %cond3A_174 : i32
        scf.if %cond3A_175 {
          %ge3A_186 = arith.constant 2 : i32
          %ge3A_187 = arith.cmpi sge, %add3A_171, %ge3A_186 : i32
          %convert_element_type3A_188 = arith.extui %ge3A_187 : i1 to i32
          %cond3A_189 = arith.constant 0 : i32
          %cond3A_190 = arith.cmpi ne, %convert_element_type3A_188, %cond3A_189 : i32
          scf.if %cond3A_190 {
            %dma_wait3A_202 = arith.constant 0 : i32
            %dma_wait3A_203 = arith.constant 0 : i32
            %dma_wait3A_204 = tpu.memref_slice %arg7[%dma_wait3A_202, %dma_wait3A_203] : memref<400000x128xf32, #tpu.memory_space<hbm>> -> memref<64x128xf32, #tpu.memory_space<hbm>>
            %dma_wait3A_205 = arith.constant 0 : i32
            %dma_wait3A_206 = arith.constant 0 : i32
            %dma_wait3A_207 = tpu.memref_slice %arg7[%dma_wait3A_205, %dma_wait3A_206] : memref<400000x128xf32, #tpu.memory_space<hbm>> -> memref<64x128xf32, #tpu.memory_space<hbm>>
            tpu.wait_dma2 semaphore(%arg20 : memref<!tpu.dma_semaphore, #tpu.memory_space<semaphore_mem>>) src(%arg15 : memref<64x128xf32, #tpu.memory_space<vmem>>) dst(%dma_wait3A_207 : memref<64x128xf32, #tpu.memory_space<hbm>>)
          } else {
          }
          %parallel_loop3A = arith.constant 0 : i32
          %parallel_loop3A_191 = arith.constant 64 : i32
          %parallel_loop3A_192 = arith.constant 1 : i32
          scf.for %parallel_loop3A_202 = %parallel_loop3A to %parallel_loop3A_191 step %parallel_loop3A_192  : i32 {
            %parallel_loop3A_203 = arith.constant 1024 : i32
            %parallel_loop3A_204 = arith.muli %add3A_172, %parallel_loop3A_203 : i32
            %parallel_loop3A_205 = arith.constant 16 : i32
            %parallel_loop3A_206 = arith.muli %parallel_loop3A_202, %parallel_loop3A_205 : i32
            %parallel_loop3A_207 = arith.addi %parallel_loop3A_204, %parallel_loop3A_206 : i32
            %parallel_loop3A_208 = arith.index_cast %parallel_loop3A_207 : i32 to index
            %parallel_loop3A_209 = tpu.vector_load %arg9[%parallel_loop3A_208] {strides = array<i32>} : memref<51200xi32, #tpu.memory_space<vmem>>, vector<16xi32>,
            %parallel_loop3A_210 = arith.constant 7 : i32
            %parallel_loop3A_211 = vector.broadcast %parallel_loop3A_210 : i32 to vector<16xi32>
            %parallel_loop3A_212 = arith.shrsi %parallel_loop3A_209, %parallel_loop3A_211 : vector<16xi32>
            %parallel_loop3A_213 = arith.constant 127 : i32
            %parallel_loop3A_214 = vector.broadcast %parallel_loop3A_213 : i32 to vector<16xi32>
            %parallel_loop3A_215 = arith.andi %parallel_loop3A_209, %parallel_loop3A_214 : vector<16xi32>
            %parallel_loop3A_216 = arith.constant 8 : i32
            %parallel_loop3A_217 = arith.divsi %parallel_loop3A_202, %parallel_loop3A_216 : i32
            %parallel_loop3A_218 = arith.constant 0 : i32
            %parallel_loop3A_219 = arith.cmpi sgt, %parallel_loop3A_202, %parallel_loop3A_218 : i32
            %parallel_loop3A_220 = arith.extui %parallel_loop3A_219 : i1 to i32
            %parallel_loop3A_221 = arith.constant 0 : i32
            %parallel_loop3A_222 = arith.cmpi slt, %parallel_loop3A_202, %parallel_loop3A_221 : i32
            %parallel_loop3A_223 = arith.extui %parallel_loop3A_222 : i1 to i32
            %parallel_loop3A_224 = arith.subi %parallel_loop3A_220, %parallel_loop3A_223 : i32
            %parallel_loop3A_225 = arith.constant 0 : i32
            %parallel_loop3A_226 = arith.cmpi sgt, %parallel_loop3A_216, %parallel_loop3A_225 : i32
            %parallel_loop3A_227 = arith.extui %parallel_loop3A_226 : i1 to i32
            %parallel_loop3A_228 = arith.constant 0 : i32
            %parallel_loop3A_229 = arith.cmpi slt, %parallel_loop3A_216, %parallel_loop3A_228 : i32
            %parallel_loop3A_230 = arith.extui %parallel_loop3A_229 : i1 to i32
            %parallel_loop3A_231 = arith.subi %parallel_loop3A_227, %parallel_loop3A_230 : i32
            %parallel_loop3A_232 = arith.cmpi ne, %parallel_loop3A_224, %parallel_loop3A_231 : i32
            %parallel_loop3A_233 = arith.remsi %parallel_loop3A_202, %parallel_loop3A_216 : i32
            %parallel_loop3A_234 = arith.constant 0 : i32
            %parallel_loop3A_235 = arith.cmpi ne, %parallel_loop3A_233, %parallel_loop3A_234 : i32
            %parallel_loop3A_236 = arith.andi %parallel_loop3A_232, %parallel_loop3A_235 : i1
            %parallel_loop3A_237 = arith.constant 1 : i32
            %parallel_loop3A_238 = arith.subi %parallel_loop3A_217, %parallel_loop3A_237 : i32
            %parallel_loop3A_239 = arith.select %parallel_loop3A_236, %parallel_loop3A_238, %parallel_loop3A_217 : i32
            %parallel_loop3A_240 = arith.constant 8 : i32
            %parallel_loop3A_241 = arith.constant 0 : i32
            %parallel_loop3A_242 = arith.cmpi eq, %parallel_loop3A_240, %parallel_loop3A_241 : i32
            %parallel_loop3A_243 = arith.constant 1 : i32
            %parallel_loop3A_244 = arith.select %parallel_loop3A_242, %parallel_loop3A_243, %parallel_loop3A_240 : i32
            %parallel_loop3A_245 = arith.remsi %parallel_loop3A_202, %parallel_loop3A_244 : i32
            %parallel_loop3A_246 = arith.constant 0 : i32
            %parallel_loop3A_247 = arith.cmpi ne, %parallel_loop3A_245, %parallel_loop3A_246 : i32
            %parallel_loop3A_248 = arith.constant 0 : i32
            %parallel_loop3A_249 = arith.cmpi slt, %parallel_loop3A_245, %parallel_loop3A_248 : i32
            %parallel_loop3A_250 = arith.constant 0 : i32
            %parallel_loop3A_251 = arith.cmpi slt, %parallel_loop3A_244, %parallel_loop3A_250 : i32
            %parallel_loop3A_252 = arith.xori %parallel_loop3A_249, %parallel_loop3A_251 : i1
            %parallel_loop3A_253 = arith.andi %parallel_loop3A_252, %parallel_loop3A_247 : i1
            %parallel_loop3A_254 = arith.addi %parallel_loop3A_245, %parallel_loop3A_244 : i32
            %parallel_loop3A_255 = arith.select %parallel_loop3A_253, %parallel_loop3A_254, %parallel_loop3A_245 : i32
            %parallel_loop3A_256 = arith.constant 16 : i32
            %parallel_loop3A_257 = arith.muli %parallel_loop3A_255, %parallel_loop3A_256 : i32
            %parallel_loop3A_258 = arith.constant 0 : i32
            %parallel_loop3A_259 = vector.broadcast %parallel_loop3A_258 : i32 to vector<16xi32>
            %parallel_loop3A_260 = arith.addi %parallel_loop3A_212, %parallel_loop3A_259 : vector<16xi32>
            %parallel_loop3A_261 = tpu.vector_load_idx %arg14[%parallel_loop3A_260, %parallel_loop3A_215] : memref<64x128xf32, #tpu.memory_space<vmem>>[vector<16xi32>, vector<16xi32>], vector<16xf32>,
            %parallel_loop3A_262 = arith.constant 8 : i32
            %parallel_loop3A_263 = arith.muli %parallel_loop3A_239, %parallel_loop3A_262 : i32
            %parallel_loop3A_264 = arith.constant 0 : i32
            %parallel_loop3A_265 = arith.addi %parallel_loop3A_263, %parallel_loop3A_264 : i32
            %parallel_loop3A_266 = arith.index_cast %parallel_loop3A_265 : i32 to index
            %parallel_loop3A_267 = arith.index_cast %parallel_loop3A_257 : i32 to index
            %parallel_loop3A_268 = tpu.vector_load %arg15[%parallel_loop3A_266, %parallel_loop3A_267] {strides = array<i32>} : memref<64x128xf32, #tpu.memory_space<vmem>>, vector<16xf32>,
            tpu.vector_store %arg15[%parallel_loop3A_266, %parallel_loop3A_267], %parallel_loop3A_261 {strides = array<i32>} : memref<64x128xf32, #tpu.memory_space<vmem>>, vector<16xf32>,
            %parallel_loop3A_269 = arith.constant 8 : i32
            %parallel_loop3A_270 = vector.broadcast %parallel_loop3A_269 : i32 to vector<16xi32>
            %parallel_loop3A_271 = arith.addi %parallel_loop3A_212, %parallel_loop3A_270 : vector<16xi32>
            %parallel_loop3A_272 = tpu.vector_load_idx %arg14[%parallel_loop3A_271, %parallel_loop3A_215] : memref<64x128xf32, #tpu.memory_space<vmem>>[vector<16xi32>, vector<16xi32>], vector<16xf32>,
            %parallel_loop3A_273 = arith.constant 8 : i32
            %parallel_loop3A_274 = arith.muli %parallel_loop3A_239, %parallel_loop3A_273 : i32
            %parallel_loop3A_275 = arith.constant 1 : i32
            %parallel_loop3A_276 = arith.addi %parallel_loop3A_274, %parallel_loop3A_275 : i32
            %parallel_loop3A_277 = arith.index_cast %parallel_loop3A_276 : i32 to index
            %parallel_loop3A_278 = arith.index_cast %parallel_loop3A_257 : i32 to index
            %parallel_loop3A_279 = tpu.vector_load %arg15[%parallel_loop3A_277, %parallel_loop3A_278] {strides = array<i32>} : memref<64x128xf32, #tpu.memory_space<vmem>>, vector<16xf32>,
            tpu.vector_store %arg15[%parallel_loop3A_277, %parallel_loop3A_278], %parallel_loop3A_272 {strides = array<i32>} : memref<64x128xf32, #tpu.memory_space<vmem>>, vector<16xf32>,
            %parallel_loop3A_280 = arith.constant 16 : i32
            %parallel_loop3A_281 = vector.broadcast %parallel_loop3A_280 : i32 to vector<16xi32>
            %parallel_loop3A_282 = arith.addi %parallel_loop3A_212, %parallel_loop3A_281 : vector<16xi32>
            %parallel_loop3A_283 = tpu.vector_load_idx %arg14[%parallel_loop3A_282, %parallel_loop3A_215] : memref<64x128xf32, #tpu.memory_space<vmem>>[vector<16xi32>, vector<16xi32>], vector<16xf32>,
            %parallel_loop3A_284 = arith.constant 8 : i32
            %parallel_loop3A_285 = arith.muli %parallel_loop3A_239, %parallel_loop3A_284 : i32
            %parallel_loop3A_286 = arith.constant 2 : i32
            %parallel_loop3A_287 = arith.addi %parallel_loop3A_285, %parallel_loop3A_286 : i32
            %parallel_loop3A_288 = arith.index_cast %parallel_loop3A_287 : i32 to index
            %parallel_loop3A_289 = arith.index_cast %parallel_loop3A_257 : i32 to index
            %parallel_loop3A_290 = tpu.vector_load %arg15[%parallel_loop3A_288, %parallel_loop3A_289] {strides = array<i32>} : memref<64x128xf32, #tpu.memory_space<vmem>>, vector<16xf32>,
            tpu.vector_store %arg15[%parallel_loop3A_288, %parallel_loop3A_289], %parallel_loop3A_283 {strides = array<i32>} : memref<64x128xf32, #tpu.memory_space<vmem>>, vector<16xf32>,
            %parallel_loop3A_291 = arith.constant 24 : i32
            %parallel_loop3A_292 = vector.broadcast %parallel_loop3A_291 : i32 to vector<16xi32>
            %parallel_loop3A_293 = arith.addi %parallel_loop3A_212, %parallel_loop3A_292 : vector<16xi32>
            %parallel_loop3A_294 = tpu.vector_load_idx %arg14[%parallel_loop3A_293, %parallel_loop3A_215] : memref<64x128xf32, #tpu.memory_space<vmem>>[vector<16xi32>, vector<16xi32>], vector<16xf32>,
            %parallel_loop3A_295 = arith.constant 8 : i32
            %parallel_loop3A_296 = arith.muli %parallel_loop3A_239, %parallel_loop3A_295 : i32
            %parallel_loop3A_297 = arith.constant 3 : i32
            %parallel_loop3A_298 = arith.addi %parallel_loop3A_296, %parallel_loop3A_297 : i32
            %parallel_loop3A_299 = arith.index_cast %parallel_loop3A_298 : i32 to index
            %parallel_loop3A_300 = arith.index_cast %parallel_loop3A_257 : i32 to index
            %parallel_loop3A_301 = tpu.vector_load %arg15[%parallel_loop3A_299, %parallel_loop3A_300] {strides = array<i32>} : memref<64x128xf32, #tpu.memory_space<vmem>>, vector<16xf32>,
            tpu.vector_store %arg15[%parallel_loop3A_299, %parallel_loop3A_300], %parallel_loop3A_294 {strides = array<i32>} : memref<64x128xf32, #tpu.memory_space<vmem>>, vector<16xf32>,
            %parallel_loop3A_302 = arith.constant 32 : i32
            %parallel_loop3A_303 = vector.broadcast %parallel_loop3A_302 : i32 to vector<16xi32>
            %parallel_loop3A_304 = arith.addi %parallel_loop3A_212, %parallel_loop3A_303 : vector<16xi32>
            %parallel_loop3A_305 = tpu.vector_load_idx %arg14[%parallel_loop3A_304, %parallel_loop3A_215] : memref<64x128xf32, #tpu.memory_space<vmem>>[vector<16xi32>, vector<16xi32>], vector<16xf32>,
            %parallel_loop3A_306 = arith.constant 8 : i32
            %parallel_loop3A_307 = arith.muli %parallel_loop3A_239, %parallel_loop3A_306 : i32
            %parallel_loop3A_308 = arith.constant 4 : i32
            %parallel_loop3A_309 = arith.addi %parallel_loop3A_307, %parallel_loop3A_308 : i32
            %parallel_loop3A_310 = arith.index_cast %parallel_loop3A_309 : i32 to index
            %parallel_loop3A_311 = arith.index_cast %parallel_loop3A_257 : i32 to index
            %parallel_loop3A_312 = tpu.vector_load %arg15[%parallel_loop3A_310, %parallel_loop3A_311] {strides = array<i32>} : memref<64x128xf32, #tpu.memory_space<vmem>>, vector<16xf32>,
            tpu.vector_store %arg15[%parallel_loop3A_310, %parallel_loop3A_311], %parallel_loop3A_305 {strides = array<i32>} : memref<64x128xf32, #tpu.memory_space<vmem>>, vector<16xf32>,
            %parallel_loop3A_313 = arith.constant 40 : i32
            %parallel_loop3A_314 = vector.broadcast %parallel_loop3A_313 : i32 to vector<16xi32>
            %parallel_loop3A_315 = arith.addi %parallel_loop3A_212, %parallel_loop3A_314 : vector<16xi32>
            %parallel_loop3A_316 = tpu.vector_load_idx %arg14[%parallel_loop3A_315, %parallel_loop3A_215] : memref<64x128xf32, #tpu.memory_space<vmem>>[vector<16xi32>, vector<16xi32>], vector<16xf32>,
            %parallel_loop3A_317 = arith.constant 8 : i32
            %parallel_loop3A_318 = arith.muli %parallel_loop3A_239, %parallel_loop3A_317 : i32
            %parallel_loop3A_319 = arith.constant 5 : i32
            %parallel_loop3A_320 = arith.addi %parallel_loop3A_318, %parallel_loop3A_319 : i32
            %parallel_loop3A_321 = arith.index_cast %parallel_loop3A_320 : i32 to index
            %parallel_loop3A_322 = arith.index_cast %parallel_loop3A_257 : i32 to index
            %parallel_loop3A_323 = tpu.vector_load %arg15[%parallel_loop3A_321, %parallel_loop3A_322] {strides = array<i32>} : memref<64x128xf32, #tpu.memory_space<vmem>>, vector<16xf32>,
            tpu.vector_store %arg15[%parallel_loop3A_321, %parallel_loop3A_322], %parallel_loop3A_316 {strides = array<i32>} : memref<64x128xf32, #tpu.memory_space<vmem>>, vector<16xf32>,
            %parallel_loop3A_324 = arith.constant 48 : i32
            %parallel_loop3A_325 = vector.broadcast %parallel_loop3A_324 : i32 to vector<16xi32>
            %parallel_loop3A_326 = arith.addi %parallel_loop3A_212, %parallel_loop3A_325 : vector<16xi32>
            %parallel_loop3A_327 = tpu.vector_load_idx %arg14[%parallel_loop3A_326, %parallel_loop3A_215] : memref<64x128xf32, #tpu.memory_space<vmem>>[vector<16xi32>, vector<16xi32>], vector<16xf32>,
            %parallel_loop3A_328 = arith.constant 8 : i32
            %parallel_loop3A_329 = arith.muli %parallel_loop3A_239, %parallel_loop3A_328 : i32
            %parallel_loop3A_330 = arith.constant 6 : i32
            %parallel_loop3A_331 = arith.addi %parallel_loop3A_329, %parallel_loop3A_330 : i32
            %parallel_loop3A_332 = arith.index_cast %parallel_loop3A_331 : i32 to index
            %parallel_loop3A_333 = arith.index_cast %parallel_loop3A_257 : i32 to index
            %parallel_loop3A_334 = tpu.vector_load %arg15[%parallel_loop3A_332, %parallel_loop3A_333] {strides = array<i32>} : memref<64x128xf32, #tpu.memory_space<vmem>>, vector<16xf32>,
            tpu.vector_store %arg15[%parallel_loop3A_332, %parallel_loop3A_333], %parallel_loop3A_327 {strides = array<i32>} : memref<64x128xf32, #tpu.memory_space<vmem>>, vector<16xf32>,
            %parallel_loop3A_335 = arith.constant 56 : i32
            %parallel_loop3A_336 = vector.broadcast %parallel_loop3A_335 : i32 to vector<16xi32>
            %parallel_loop3A_337 = arith.addi %parallel_loop3A_212, %parallel_loop3A_336 : vector<16xi32>
            %parallel_loop3A_338 = tpu.vector_load_idx %arg14[%parallel_loop3A_337, %parallel_loop3A_215] : memref<64x128xf32, #tpu.memory_space<vmem>>[vector<16xi32>, vector<16xi32>], vector<16xf32>,
            %parallel_loop3A_339 = arith.constant 8 : i32
            %parallel_loop3A_340 = arith.muli %parallel_loop3A_239, %parallel_loop3A_339 : i32
            %parallel_loop3A_341 = arith.constant 7 : i32
            %parallel_loop3A_342 = arith.addi %parallel_loop3A_340, %parallel_loop3A_341 : i32
            %parallel_loop3A_343 = arith.index_cast %parallel_loop3A_342 : i32 to index
            %parallel_loop3A_344 = arith.index_cast %parallel_loop3A_257 : i32 to index
            %parallel_loop3A_345 = tpu.vector_load %arg15[%parallel_loop3A_343, %parallel_loop3A_344] {strides = array<i32>} : memref<64x128xf32, #tpu.memory_space<vmem>>, vector<16xf32>,
            tpu.vector_store %arg15[%parallel_loop3A_343, %parallel_loop3A_344], %parallel_loop3A_338 {strides = array<i32>} : memref<64x128xf32, #tpu.memory_space<vmem>>, vector<16xf32>,
          } {sc.loop_unroll_factor = 4 : i64, sc.parallel_access}
          %mul3A_193 = arith.constant 8000 : i32
          %mul3A_194 = arith.muli %add3A_172, %mul3A_193 : i32
          %mul3A_195 = arith.constant 64 : i32
          %mul3A_196 = arith.muli %while3A_129, %mul3A_195 : i32
          %add3A_197 = arith.addi %mul3A_194, %mul3A_196 : i32
          %dma_start3A_198 = arith.constant 0 : i32
          %dma_start3A_199 = tpu.memref_slice %arg7[%add3A_197, %dma_start3A_198] : memref<400000x128xf32, #tpu.memory_space<hbm>> -> memref<64x128xf32, #tpu.memory_space<hbm>>
          %dma_start3A_200 = arith.constant 0 : i32
          %dma_start3A_201 = tpu.memref_slice %arg7[%add3A_197, %dma_start3A_200] : memref<400000x128xf32, #tpu.memory_space<hbm>> -> memref<64x128xf32, #tpu.memory_space<hbm>>
          tpu.enqueue_dma source(%arg15 : memref<64x128xf32, #tpu.memory_space<vmem>>) target(%dma_start3A_201 : memref<64x128xf32, #tpu.memory_space<hbm>>) target_semaphore(%arg20 : memref<!tpu.dma_semaphore, #tpu.memory_space<semaphore_mem>>)
        } else {
        }
        %mul3A_176 = arith.constant 2 : i32
        %mul3A_177 = arith.muli %scan3A_166, %mul3A_176 : i32
        %add3A_178 = arith.constant 1 : i32
        %add3A_179 = arith.addi %mul3A_177, %add3A_178 : i32
        %add3A_180 = arith.addi %max3A_140, %add3A_179 : i32
        %lt3A_181 = arith.cmpi slt, %add3A_180, %min3A_144 : i32
        %convert_element_type3A_182 = arith.extui %lt3A_181 : i1 to i32
        %cond3A_183 = arith.constant 0 : i32
        %cond3A_184 = arith.cmpi ne, %convert_element_type3A_182, %cond3A_183 : i32
        scf.if %cond3A_184 {
          %ge3A_186 = arith.constant 2 : i32
          %ge3A_187 = arith.cmpi sge, %add3A_179, %ge3A_186 : i32
          %convert_element_type3A_188 = arith.extui %ge3A_187 : i1 to i32
          %cond3A_189 = arith.constant 0 : i32
          %cond3A_190 = arith.cmpi ne, %convert_element_type3A_188, %cond3A_189 : i32
          scf.if %cond3A_190 {
            %dma_wait3A_202 = arith.constant 0 : i32
            %dma_wait3A_203 = arith.constant 0 : i32
            %dma_wait3A_204 = tpu.memref_slice %arg7[%dma_wait3A_202, %dma_wait3A_203] : memref<400000x128xf32, #tpu.memory_space<hbm>> -> memref<64x128xf32, #tpu.memory_space<hbm>>
            %dma_wait3A_205 = arith.constant 0 : i32
            %dma_wait3A_206 = arith.constant 0 : i32
            %dma_wait3A_207 = tpu.memref_slice %arg7[%dma_wait3A_205, %dma_wait3A_206] : memref<400000x128xf32, #tpu.memory_space<hbm>> -> memref<64x128xf32, #tpu.memory_space<hbm>>
            tpu.wait_dma2 semaphore(%arg21 : memref<!tpu.dma_semaphore, #tpu.memory_space<semaphore_mem>>) src(%arg16 : memref<64x128xf32, #tpu.memory_space<vmem>>) dst(%dma_wait3A_207 : memref<64x128xf32, #tpu.memory_space<hbm>>)
          } else {
          }
          %parallel_loop3A = arith.constant 0 : i32
          %parallel_loop3A_191 = arith.constant 64 : i32
          %parallel_loop3A_192 = arith.constant 1 : i32
          scf.for %parallel_loop3A_202 = %parallel_loop3A to %parallel_loop3A_191 step %parallel_loop3A_192  : i32 {
            %parallel_loop3A_203 = arith.constant 1024 : i32
            %parallel_loop3A_204 = arith.muli %add3A_180, %parallel_loop3A_203 : i32
            %parallel_loop3A_205 = arith.constant 16 : i32
            %parallel_loop3A_206 = arith.muli %parallel_loop3A_202, %parallel_loop3A_205 : i32
            %parallel_loop3A_207 = arith.addi %parallel_loop3A_204, %parallel_loop3A_206 : i32
            %parallel_loop3A_208 = arith.index_cast %parallel_loop3A_207 : i32 to index
            %parallel_loop3A_209 = tpu.vector_load %arg9[%parallel_loop3A_208] {strides = array<i32>} : memref<51200xi32, #tpu.memory_space<vmem>>, vector<16xi32>,
            %parallel_loop3A_210 = arith.constant 7 : i32
            %parallel_loop3A_211 = vector.broadcast %parallel_loop3A_210 : i32 to vector<16xi32>
            %parallel_loop3A_212 = arith.shrsi %parallel_loop3A_209, %parallel_loop3A_211 : vector<16xi32>
            %parallel_loop3A_213 = arith.constant 127 : i32
            %parallel_loop3A_214 = vector.broadcast %parallel_loop3A_213 : i32 to vector<16xi32>
            %parallel_loop3A_215 = arith.andi %parallel_loop3A_209, %parallel_loop3A_214 : vector<16xi32>
            %parallel_loop3A_216 = arith.constant 8 : i32
            %parallel_loop3A_217 = arith.divsi %parallel_loop3A_202, %parallel_loop3A_216 : i32
            %parallel_loop3A_218 = arith.constant 0 : i32
            %parallel_loop3A_219 = arith.cmpi sgt, %parallel_loop3A_202, %parallel_loop3A_218 : i32
            %parallel_loop3A_220 = arith.extui %parallel_loop3A_219 : i1 to i32
            %parallel_loop3A_221 = arith.constant 0 : i32
            %parallel_loop3A_222 = arith.cmpi slt, %parallel_loop3A_202, %parallel_loop3A_221 : i32
            %parallel_loop3A_223 = arith.extui %parallel_loop3A_222 : i1 to i32
            %parallel_loop3A_224 = arith.subi %parallel_loop3A_220, %parallel_loop3A_223 : i32
            %parallel_loop3A_225 = arith.constant 0 : i32
            %parallel_loop3A_226 = arith.cmpi sgt, %parallel_loop3A_216, %parallel_loop3A_225 : i32
            %parallel_loop3A_227 = arith.extui %parallel_loop3A_226 : i1 to i32
            %parallel_loop3A_228 = arith.constant 0 : i32
            %parallel_loop3A_229 = arith.cmpi slt, %parallel_loop3A_216, %parallel_loop3A_228 : i32
            %parallel_loop3A_230 = arith.extui %parallel_loop3A_229 : i1 to i32
            %parallel_loop3A_231 = arith.subi %parallel_loop3A_227, %parallel_loop3A_230 : i32
            %parallel_loop3A_232 = arith.cmpi ne, %parallel_loop3A_224, %parallel_loop3A_231 : i32
            %parallel_loop3A_233 = arith.remsi %parallel_loop3A_202, %parallel_loop3A_216 : i32
            %parallel_loop3A_234 = arith.constant 0 : i32
            %parallel_loop3A_235 = arith.cmpi ne, %parallel_loop3A_233, %parallel_loop3A_234 : i32
            %parallel_loop3A_236 = arith.andi %parallel_loop3A_232, %parallel_loop3A_235 : i1
            %parallel_loop3A_237 = arith.constant 1 : i32
            %parallel_loop3A_238 = arith.subi %parallel_loop3A_217, %parallel_loop3A_237 : i32
            %parallel_loop3A_239 = arith.select %parallel_loop3A_236, %parallel_loop3A_238, %parallel_loop3A_217 : i32
            %parallel_loop3A_240 = arith.constant 8 : i32
            %parallel_loop3A_241 = arith.constant 0 : i32
            %parallel_loop3A_242 = arith.cmpi eq, %parallel_loop3A_240, %parallel_loop3A_241 : i32
            %parallel_loop3A_243 = arith.constant 1 : i32
            %parallel_loop3A_244 = arith.select %parallel_loop3A_242, %parallel_loop3A_243, %parallel_loop3A_240 : i32
            %parallel_loop3A_245 = arith.remsi %parallel_loop3A_202, %parallel_loop3A_244 : i32
            %parallel_loop3A_246 = arith.constant 0 : i32
            %parallel_loop3A_247 = arith.cmpi ne, %parallel_loop3A_245, %parallel_loop3A_246 : i32
            %parallel_loop3A_248 = arith.constant 0 : i32
            %parallel_loop3A_249 = arith.cmpi slt, %parallel_loop3A_245, %parallel_loop3A_248 : i32
            %parallel_loop3A_250 = arith.constant 0 : i32
            %parallel_loop3A_251 = arith.cmpi slt, %parallel_loop3A_244, %parallel_loop3A_250 : i32
            %parallel_loop3A_252 = arith.xori %parallel_loop3A_249, %parallel_loop3A_251 : i1
            %parallel_loop3A_253 = arith.andi %parallel_loop3A_252, %parallel_loop3A_247 : i1
            %parallel_loop3A_254 = arith.addi %parallel_loop3A_245, %parallel_loop3A_244 : i32
            %parallel_loop3A_255 = arith.select %parallel_loop3A_253, %parallel_loop3A_254, %parallel_loop3A_245 : i32
            %parallel_loop3A_256 = arith.constant 16 : i32
            %parallel_loop3A_257 = arith.muli %parallel_loop3A_255, %parallel_loop3A_256 : i32
            %parallel_loop3A_258 = arith.constant 0 : i32
            %parallel_loop3A_259 = vector.broadcast %parallel_loop3A_258 : i32 to vector<16xi32>
            %parallel_loop3A_260 = arith.addi %parallel_loop3A_212, %parallel_loop3A_259 : vector<16xi32>
            %parallel_loop3A_261 = tpu.vector_load_idx %arg14[%parallel_loop3A_260, %parallel_loop3A_215] : memref<64x128xf32, #tpu.memory_space<vmem>>[vector<16xi32>, vector<16xi32>], vector<16xf32>,
            %parallel_loop3A_262 = arith.constant 8 : i32
            %parallel_loop3A_263 = arith.muli %parallel_loop3A_239, %parallel_loop3A_262 : i32
            %parallel_loop3A_264 = arith.constant 0 : i32
            %parallel_loop3A_265 = arith.addi %parallel_loop3A_263, %parallel_loop3A_264 : i32
            %parallel_loop3A_266 = arith.index_cast %parallel_loop3A_265 : i32 to index
            %parallel_loop3A_267 = arith.index_cast %parallel_loop3A_257 : i32 to index
            %parallel_loop3A_268 = tpu.vector_load %arg16[%parallel_loop3A_266, %parallel_loop3A_267] {strides = array<i32>} : memref<64x128xf32, #tpu.memory_space<vmem>>, vector<16xf32>,
            tpu.vector_store %arg16[%parallel_loop3A_266, %parallel_loop3A_267], %parallel_loop3A_261 {strides = array<i32>} : memref<64x128xf32, #tpu.memory_space<vmem>>, vector<16xf32>,
            %parallel_loop3A_269 = arith.constant 8 : i32
            %parallel_loop3A_270 = vector.broadcast %parallel_loop3A_269 : i32 to vector<16xi32>
            %parallel_loop3A_271 = arith.addi %parallel_loop3A_212, %parallel_loop3A_270 : vector<16xi32>
            %parallel_loop3A_272 = tpu.vector_load_idx %arg14[%parallel_loop3A_271, %parallel_loop3A_215] : memref<64x128xf32, #tpu.memory_space<vmem>>[vector<16xi32>, vector<16xi32>], vector<16xf32>,
            %parallel_loop3A_273 = arith.constant 8 : i32
            %parallel_loop3A_274 = arith.muli %parallel_loop3A_239, %parallel_loop3A_273 : i32
            %parallel_loop3A_275 = arith.constant 1 : i32
            %parallel_loop3A_276 = arith.addi %parallel_loop3A_274, %parallel_loop3A_275 : i32
            %parallel_loop3A_277 = arith.index_cast %parallel_loop3A_276 : i32 to index
            %parallel_loop3A_278 = arith.index_cast %parallel_loop3A_257 : i32 to index
            %parallel_loop3A_279 = tpu.vector_load %arg16[%parallel_loop3A_277, %parallel_loop3A_278] {strides = array<i32>} : memref<64x128xf32, #tpu.memory_space<vmem>>, vector<16xf32>,
            tpu.vector_store %arg16[%parallel_loop3A_277, %parallel_loop3A_278], %parallel_loop3A_272 {strides = array<i32>} : memref<64x128xf32, #tpu.memory_space<vmem>>, vector<16xf32>,
            %parallel_loop3A_280 = arith.constant 16 : i32
            %parallel_loop3A_281 = vector.broadcast %parallel_loop3A_280 : i32 to vector<16xi32>
            %parallel_loop3A_282 = arith.addi %parallel_loop3A_212, %parallel_loop3A_281 : vector<16xi32>
            %parallel_loop3A_283 = tpu.vector_load_idx %arg14[%parallel_loop3A_282, %parallel_loop3A_215] : memref<64x128xf32, #tpu.memory_space<vmem>>[vector<16xi32>, vector<16xi32>], vector<16xf32>,
            %parallel_loop3A_284 = arith.constant 8 : i32
            %parallel_loop3A_285 = arith.muli %parallel_loop3A_239, %parallel_loop3A_284 : i32
            %parallel_loop3A_286 = arith.constant 2 : i32
            %parallel_loop3A_287 = arith.addi %parallel_loop3A_285, %parallel_loop3A_286 : i32
            %parallel_loop3A_288 = arith.index_cast %parallel_loop3A_287 : i32 to index
            %parallel_loop3A_289 = arith.index_cast %parallel_loop3A_257 : i32 to index
            %parallel_loop3A_290 = tpu.vector_load %arg16[%parallel_loop3A_288, %parallel_loop3A_289] {strides = array<i32>} : memref<64x128xf32, #tpu.memory_space<vmem>>, vector<16xf32>,
            tpu.vector_store %arg16[%parallel_loop3A_288, %parallel_loop3A_289], %parallel_loop3A_283 {strides = array<i32>} : memref<64x128xf32, #tpu.memory_space<vmem>>, vector<16xf32>,
            %parallel_loop3A_291 = arith.constant 24 : i32
            %parallel_loop3A_292 = vector.broadcast %parallel_loop3A_291 : i32 to vector<16xi32>
            %parallel_loop3A_293 = arith.addi %parallel_loop3A_212, %parallel_loop3A_292 : vector<16xi32>
            %parallel_loop3A_294 = tpu.vector_load_idx %arg14[%parallel_loop3A_293, %parallel_loop3A_215] : memref<64x128xf32, #tpu.memory_space<vmem>>[vector<16xi32>, vector<16xi32>], vector<16xf32>,
            %parallel_loop3A_295 = arith.constant 8 : i32
            %parallel_loop3A_296 = arith.muli %parallel_loop3A_239, %parallel_loop3A_295 : i32
            %parallel_loop3A_297 = arith.constant 3 : i32
            %parallel_loop3A_298 = arith.addi %parallel_loop3A_296, %parallel_loop3A_297 : i32
            %parallel_loop3A_299 = arith.index_cast %parallel_loop3A_298 : i32 to index
            %parallel_loop3A_300 = arith.index_cast %parallel_loop3A_257 : i32 to index
            %parallel_loop3A_301 = tpu.vector_load %arg16[%parallel_loop3A_299, %parallel_loop3A_300] {strides = array<i32>} : memref<64x128xf32, #tpu.memory_space<vmem>>, vector<16xf32>,
            tpu.vector_store %arg16[%parallel_loop3A_299, %parallel_loop3A_300], %parallel_loop3A_294 {strides = array<i32>} : memref<64x128xf32, #tpu.memory_space<vmem>>, vector<16xf32>,
            %parallel_loop3A_302 = arith.constant 32 : i32
            %parallel_loop3A_303 = vector.broadcast %parallel_loop3A_302 : i32 to vector<16xi32>
            %parallel_loop3A_304 = arith.addi %parallel_loop3A_212, %parallel_loop3A_303 : vector<16xi32>
            %parallel_loop3A_305 = tpu.vector_load_idx %arg14[%parallel_loop3A_304, %parallel_loop3A_215] : memref<64x128xf32, #tpu.memory_space<vmem>>[vector<16xi32>, vector<16xi32>], vector<16xf32>,
            %parallel_loop3A_306 = arith.constant 8 : i32
            %parallel_loop3A_307 = arith.muli %parallel_loop3A_239, %parallel_loop3A_306 : i32
            %parallel_loop3A_308 = arith.constant 4 : i32
            %parallel_loop3A_309 = arith.addi %parallel_loop3A_307, %parallel_loop3A_308 : i32
            %parallel_loop3A_310 = arith.index_cast %parallel_loop3A_309 : i32 to index
            %parallel_loop3A_311 = arith.index_cast %parallel_loop3A_257 : i32 to index
            %parallel_loop3A_312 = tpu.vector_load %arg16[%parallel_loop3A_310, %parallel_loop3A_311] {strides = array<i32>} : memref<64x128xf32, #tpu.memory_space<vmem>>, vector<16xf32>,
            tpu.vector_store %arg16[%parallel_loop3A_310, %parallel_loop3A_311], %parallel_loop3A_305 {strides = array<i32>} : memref<64x128xf32, #tpu.memory_space<vmem>>, vector<16xf32>,
            %parallel_loop3A_313 = arith.constant 40 : i32
            %parallel_loop3A_314 = vector.broadcast %parallel_loop3A_313 : i32 to vector<16xi32>
            %parallel_loop3A_315 = arith.addi %parallel_loop3A_212, %parallel_loop3A_314 : vector<16xi32>
            %parallel_loop3A_316 = tpu.vector_load_idx %arg14[%parallel_loop3A_315, %parallel_loop3A_215] : memref<64x128xf32, #tpu.memory_space<vmem>>[vector<16xi32>, vector<16xi32>], vector<16xf32>,
            %parallel_loop3A_317 = arith.constant 8 : i32
            %parallel_loop3A_318 = arith.muli %parallel_loop3A_239, %parallel_loop3A_317 : i32
            %parallel_loop3A_319 = arith.constant 5 : i32
            %parallel_loop3A_320 = arith.addi %parallel_loop3A_318, %parallel_loop3A_319 : i32
            %parallel_loop3A_321 = arith.index_cast %parallel_loop3A_320 : i32 to index
            %parallel_loop3A_322 = arith.index_cast %parallel_loop3A_257 : i32 to index
            %parallel_loop3A_323 = tpu.vector_load %arg16[%parallel_loop3A_321, %parallel_loop3A_322] {strides = array<i32>} : memref<64x128xf32, #tpu.memory_space<vmem>>, vector<16xf32>,
            tpu.vector_store %arg16[%parallel_loop3A_321, %parallel_loop3A_322], %parallel_loop3A_316 {strides = array<i32>} : memref<64x128xf32, #tpu.memory_space<vmem>>, vector<16xf32>,
            %parallel_loop3A_324 = arith.constant 48 : i32
            %parallel_loop3A_325 = vector.broadcast %parallel_loop3A_324 : i32 to vector<16xi32>
            %parallel_loop3A_326 = arith.addi %parallel_loop3A_212, %parallel_loop3A_325 : vector<16xi32>
            %parallel_loop3A_327 = tpu.vector_load_idx %arg14[%parallel_loop3A_326, %parallel_loop3A_215] : memref<64x128xf32, #tpu.memory_space<vmem>>[vector<16xi32>, vector<16xi32>], vector<16xf32>,
            %parallel_loop3A_328 = arith.constant 8 : i32
            %parallel_loop3A_329 = arith.muli %parallel_loop3A_239, %parallel_loop3A_328 : i32
            %parallel_loop3A_330 = arith.constant 6 : i32
            %parallel_loop3A_331 = arith.addi %parallel_loop3A_329, %parallel_loop3A_330 : i32
            %parallel_loop3A_332 = arith.index_cast %parallel_loop3A_331 : i32 to index
            %parallel_loop3A_333 = arith.index_cast %parallel_loop3A_257 : i32 to index
            %parallel_loop3A_334 = tpu.vector_load %arg16[%parallel_loop3A_332, %parallel_loop3A_333] {strides = array<i32>} : memref<64x128xf32, #tpu.memory_space<vmem>>, vector<16xf32>,
            tpu.vector_store %arg16[%parallel_loop3A_332, %parallel_loop3A_333], %parallel_loop3A_327 {strides = array<i32>} : memref<64x128xf32, #tpu.memory_space<vmem>>, vector<16xf32>,
            %parallel_loop3A_335 = arith.constant 56 : i32
            %parallel_loop3A_336 = vector.broadcast %parallel_loop3A_335 : i32 to vector<16xi32>
            %parallel_loop3A_337 = arith.addi %parallel_loop3A_212, %parallel_loop3A_336 : vector<16xi32>
            %parallel_loop3A_338 = tpu.vector_load_idx %arg14[%parallel_loop3A_337, %parallel_loop3A_215] : memref<64x128xf32, #tpu.memory_space<vmem>>[vector<16xi32>, vector<16xi32>], vector<16xf32>,
            %parallel_loop3A_339 = arith.constant 8 : i32
            %parallel_loop3A_340 = arith.muli %parallel_loop3A_239, %parallel_loop3A_339 : i32
            %parallel_loop3A_341 = arith.constant 7 : i32
            %parallel_loop3A_342 = arith.addi %parallel_loop3A_340, %parallel_loop3A_341 : i32
            %parallel_loop3A_343 = arith.index_cast %parallel_loop3A_342 : i32 to index
            %parallel_loop3A_344 = arith.index_cast %parallel_loop3A_257 : i32 to index
            %parallel_loop3A_345 = tpu.vector_load %arg16[%parallel_loop3A_343, %parallel_loop3A_344] {strides = array<i32>} : memref<64x128xf32, #tpu.memory_space<vmem>>, vector<16xf32>,
            tpu.vector_store %arg16[%parallel_loop3A_343, %parallel_loop3A_344], %parallel_loop3A_338 {strides = array<i32>} : memref<64x128xf32, #tpu.memory_space<vmem>>, vector<16xf32>,
          } {sc.loop_unroll_factor = 4 : i64, sc.parallel_access}
          %mul3A_193 = arith.constant 8000 : i32
          %mul3A_194 = arith.muli %add3A_180, %mul3A_193 : i32
          %mul3A_195 = arith.constant 64 : i32
          %mul3A_196 = arith.muli %while3A_129, %mul3A_195 : i32
          %add3A_197 = arith.addi %mul3A_194, %mul3A_196 : i32
          %dma_start3A_198 = arith.constant 0 : i32
          %dma_start3A_199 = tpu.memref_slice %arg7[%add3A_197, %dma_start3A_198] : memref<400000x128xf32, #tpu.memory_space<hbm>> -> memref<64x128xf32, #tpu.memory_space<hbm>>
          %dma_start3A_200 = arith.constant 0 : i32
          %dma_start3A_201 = tpu.memref_slice %arg7[%add3A_197, %dma_start3A_200] : memref<400000x128xf32, #tpu.memory_space<hbm>> -> memref<64x128xf32, #tpu.memory_space<hbm>>
          tpu.enqueue_dma source(%arg16 : memref<64x128xf32, #tpu.memory_space<vmem>>) target(%dma_start3A_201 : memref<64x128xf32, #tpu.memory_space<hbm>>) target_semaphore(%arg21 : memref<!tpu.dma_semaphore, #tpu.memory_space<semaphore_mem>>)
        } else {
        }
        %scan3A_185 = arith.constant 0 : i32
        scf.yield %scan3A_185 : i32
      }
      %scan3A_158 = arith.constant 25 : i32
      %ge3A = arith.constant 2 : i32
      %ge3A_159 = arith.cmpi sge, %sub3A_151, %ge3A : i32
      %convert_element_type3A = arith.extui %ge3A_159 : i1 to i32
      %cond3A = arith.constant 0 : i32
      %cond3A_160 = arith.cmpi ne, %convert_element_type3A, %cond3A : i32
      scf.if %cond3A_160 {
        %dma_wait3A_166 = arith.constant 0 : i32
        %dma_wait3A_167 = arith.constant 0 : i32
        %dma_wait3A_168 = tpu.memref_slice %arg7[%dma_wait3A_166, %dma_wait3A_167] : memref<400000x128xf32, #tpu.memory_space<hbm>> -> memref<64x128xf32, #tpu.memory_space<hbm>>
        %dma_wait3A_169 = arith.constant 0 : i32
        %dma_wait3A_170 = arith.constant 0 : i32
        %dma_wait3A_171 = tpu.memref_slice %arg7[%dma_wait3A_169, %dma_wait3A_170] : memref<400000x128xf32, #tpu.memory_space<hbm>> -> memref<64x128xf32, #tpu.memory_space<hbm>>
        tpu.wait_dma2 semaphore(%arg20 : memref<!tpu.dma_semaphore, #tpu.memory_space<semaphore_mem>>) src(%arg15 : memref<64x128xf32, #tpu.memory_space<vmem>>) dst(%dma_wait3A_171 : memref<64x128xf32, #tpu.memory_space<hbm>>)
        %dma_wait3A_172 = arith.constant 0 : i32
        %dma_wait3A_173 = arith.constant 0 : i32
        %dma_wait3A_174 = tpu.memref_slice %arg7[%dma_wait3A_172, %dma_wait3A_173] : memref<400000x128xf32, #tpu.memory_space<hbm>> -> memref<64x128xf32, #tpu.memory_space<hbm>>
        %dma_wait3A_175 = arith.constant 0 : i32
        %dma_wait3A_176 = arith.constant 0 : i32
        %dma_wait3A_177 = tpu.memref_slice %arg7[%dma_wait3A_175, %dma_wait3A_176] : memref<400000x128xf32, #tpu.memory_space<hbm>> -> memref<64x128xf32, #tpu.memory_space<hbm>>
        tpu.wait_dma2 semaphore(%arg21 : memref<!tpu.dma_semaphore, #tpu.memory_space<semaphore_mem>>) src(%arg16 : memref<64x128xf32, #tpu.memory_space<vmem>>) dst(%dma_wait3A_177 : memref<64x128xf32, #tpu.memory_space<hbm>>)
      } else {
      }
      %eq3A = arith.constant 1 : i32
      %eq3A_161 = arith.cmpi eq, %sub3A_151, %eq3A : i32
      %convert_element_type3A_162 = arith.extui %eq3A_161 : i1 to i32
      %cond3A_163 = arith.constant 0 : i32
      %cond3A_164 = arith.cmpi ne, %convert_element_type3A_162, %cond3A_163 : i32
      scf.if %cond3A_164 {
        %dma_wait3A_166 = arith.constant 0 : i32
        %dma_wait3A_167 = arith.constant 0 : i32
        %dma_wait3A_168 = tpu.memref_slice %arg7[%dma_wait3A_166, %dma_wait3A_167] : memref<400000x128xf32, #tpu.memory_space<hbm>> -> memref<64x128xf32, #tpu.memory_space<hbm>>
        %dma_wait3A_169 = arith.constant 0 : i32
        %dma_wait3A_170 = arith.constant 0 : i32
        %dma_wait3A_171 = tpu.memref_slice %arg7[%dma_wait3A_169, %dma_wait3A_170] : memref<400000x128xf32, #tpu.memory_space<hbm>> -> memref<64x128xf32, #tpu.memory_space<hbm>>
        tpu.wait_dma2 semaphore(%arg20 : memref<!tpu.dma_semaphore, #tpu.memory_space<semaphore_mem>>) src(%arg15 : memref<64x128xf32, #tpu.memory_space<vmem>>) dst(%dma_wait3A_171 : memref<64x128xf32, #tpu.memory_space<hbm>>)
      } else {
      }
      %while3A_165 = arith.constant 0 : i32
      scf.yield %while3A_165 : i32
    }
    %while3A_116 = arith.constant 1 : i32
    %while3A_117 = scf.for %while3A_129 = %while3A_113 to %while3A_109 step %while3A_116 iter_args(%while3A_130 = %while3A_115) -> (i32)  : i32 {
      %mul3A_131 = arith.constant 64 : i32
      %mul3A_132 = arith.muli %while3A_129, %mul3A_131 : i32
      %dma_start3A_133 = arith.constant 0 : i32
      %dma_start3A_134 = tpu.memref_slice %arg4[%mul3A_132, %dma_start3A_133] : memref<8000x128xf32, #tpu.memory_space<hbm>> -> memref<64x128xf32, #tpu.memory_space<hbm>>
      %dma_start3A_135 = arith.constant 0 : i32
      %dma_start3A_136 = tpu.memref_slice %arg4[%mul3A_132, %dma_start3A_135] : memref<8000x128xf32, #tpu.memory_space<hbm>> -> memref<64x128xf32, #tpu.memory_space<hbm>>
      tpu.enqueue_dma source(%dma_start3A_136 : memref<64x128xf32, #tpu.memory_space<hbm>>) target(%arg14 : memref<64x128xf32, #tpu.memory_space<vmem>>) target_semaphore(%arg19 : memref<!tpu.dma_semaphore, #tpu.memory_space<semaphore_mem>>)
      %mul3A_137 = arith.constant 50 : i32
      %mul3A_138 = arith.muli %while3A_129, %mul3A_137 : i32
      %sub3A_139 = arith.subi %select_n3A, %mul3A_138 : i32
      %max3A = arith.constant 0 : i32
      %max3A_140 = arith.maxsi %sub3A_139, %max3A : i32
      %mul3A_141 = arith.constant 50 : i32
      %mul3A_142 = arith.muli %while3A_129, %mul3A_141 : i32
      %sub3A_143 = arith.subi %select_n3A_55, %mul3A_142 : i32
      %min3A = arith.constant 50 : i32
      %min3A_144 = arith.minsi %sub3A_143, %min3A : i32
      %dma_wait3A_145 = arith.constant 0 : i32
      %dma_wait3A_146 = arith.constant 0 : i32
      %dma_wait3A_147 = tpu.memref_slice %arg4[%dma_wait3A_145, %dma_wait3A_146] : memref<8000x128xf32, #tpu.memory_space<hbm>> -> memref<64x128xf32, #tpu.memory_space<hbm>>
      %dma_wait3A_148 = arith.constant 0 : i32
      %dma_wait3A_149 = arith.constant 0 : i32
      %dma_wait3A_150 = tpu.memref_slice %arg4[%dma_wait3A_148, %dma_wait3A_149] : memref<8000x128xf32, #tpu.memory_space<hbm>> -> memref<64x128xf32, #tpu.memory_space<hbm>>
      tpu.wait_dma2 semaphore(%arg19 : memref<!tpu.dma_semaphore, #tpu.memory_space<semaphore_mem>>) src(%dma_wait3A_150 : memref<64x128xf32, #tpu.memory_space<hbm>>) dst(%arg14 : memref<64x128xf32, #tpu.memory_space<vmem>>)
      %sub3A_151 = arith.subi %min3A_144, %max3A_140 : i32
      %scan3A_152 = arith.constant 0 : i32
      %scan3A_153 = arith.constant 0 : i32
      %scan3A_154 = arith.constant 25 : i32
      %scan3A_155 = arith.addi %scan3A_153, %scan3A_154 : i32
      %scan3A_156 = arith.constant 1 : i32
      %scan3A_157 = scf.for %scan3A_166 = %scan3A_153 to %scan3A_155 step %scan3A_156 iter_args(%scan3A_167 = %scan3A_152) -> (i32)  : i32 {
        %mul3A_168 = arith.constant 2 : i32
        %mul3A_169 = arith.muli %scan3A_166, %mul3A_168 : i32
        %add3A_170 = arith.constant 0 : i32
        %add3A_171 = arith.addi %mul3A_169, %add3A_170 : i32
        %add3A_172 = arith.addi %max3A_140, %add3A_171 : i32
        %lt3A = arith.cmpi slt, %add3A_172, %min3A_144 : i32
        %convert_element_type3A_173 = arith.extui %lt3A : i1 to i32
        %cond3A_174 = arith.constant 0 : i32
        %cond3A_175 = arith.cmpi ne, %convert_element_type3A_173, %cond3A_174 : i32
        scf.if %cond3A_175 {
          %ge3A_186 = arith.constant 2 : i32
          %ge3A_187 = arith.cmpi sge, %add3A_171, %ge3A_186 : i32
          %convert_element_type3A_188 = arith.extui %ge3A_187 : i1 to i32
          %cond3A_189 = arith.constant 0 : i32
          %cond3A_190 = arith.cmpi ne, %convert_element_type3A_188, %cond3A_189 : i32
          scf.if %cond3A_190 {
            %dma_wait3A_202 = arith.constant 0 : i32
            %dma_wait3A_203 = arith.constant 0 : i32
            %dma_wait3A_204 = tpu.memref_slice %arg7[%dma_wait3A_202, %dma_wait3A_203] : memref<400000x128xf32, #tpu.memory_space<hbm>> -> memref<64x128xf32, #tpu.memory_space<hbm>>
            %dma_wait3A_205 = arith.constant 0 : i32
            %dma_wait3A_206 = arith.constant 0 : i32
            %dma_wait3A_207 = tpu.memref_slice %arg7[%dma_wait3A_205, %dma_wait3A_206] : memref<400000x128xf32, #tpu.memory_space<hbm>> -> memref<64x128xf32, #tpu.memory_space<hbm>>
            tpu.wait_dma2 semaphore(%arg20 : memref<!tpu.dma_semaphore, #tpu.memory_space<semaphore_mem>>) src(%arg15 : memref<64x128xf32, #tpu.memory_space<vmem>>) dst(%dma_wait3A_207 : memref<64x128xf32, #tpu.memory_space<hbm>>)
          } else {
          }
          %parallel_loop3A = arith.constant 0 : i32
          %parallel_loop3A_191 = arith.constant 64 : i32
          %parallel_loop3A_192 = arith.constant 1 : i32
          scf.for %parallel_loop3A_202 = %parallel_loop3A to %parallel_loop3A_191 step %parallel_loop3A_192  : i32 {
            %parallel_loop3A_203 = arith.constant 1024 : i32
            %parallel_loop3A_204 = arith.muli %add3A_172, %parallel_loop3A_203 : i32
            %parallel_loop3A_205 = arith.constant 16 : i32
            %parallel_loop3A_206 = arith.muli %parallel_loop3A_202, %parallel_loop3A_205 : i32
            %parallel_loop3A_207 = arith.addi %parallel_loop3A_204, %parallel_loop3A_206 : i32
            %parallel_loop3A_208 = arith.index_cast %parallel_loop3A_207 : i32 to index
            %parallel_loop3A_209 = tpu.vector_load %arg9[%parallel_loop3A_208] {strides = array<i32>} : memref<51200xi32, #tpu.memory_space<vmem>>, vector<16xi32>,
            %parallel_loop3A_210 = arith.constant 7 : i32
            %parallel_loop3A_211 = vector.broadcast %parallel_loop3A_210 : i32 to vector<16xi32>
            %parallel_loop3A_212 = arith.shrsi %parallel_loop3A_209, %parallel_loop3A_211 : vector<16xi32>
            %parallel_loop3A_213 = arith.constant 127 : i32
            %parallel_loop3A_214 = vector.broadcast %parallel_loop3A_213 : i32 to vector<16xi32>
            %parallel_loop3A_215 = arith.andi %parallel_loop3A_209, %parallel_loop3A_214 : vector<16xi32>
            %parallel_loop3A_216 = arith.constant 8 : i32
            %parallel_loop3A_217 = arith.divsi %parallel_loop3A_202, %parallel_loop3A_216 : i32
            %parallel_loop3A_218 = arith.constant 0 : i32
            %parallel_loop3A_219 = arith.cmpi sgt, %parallel_loop3A_202, %parallel_loop3A_218 : i32
            %parallel_loop3A_220 = arith.extui %parallel_loop3A_219 : i1 to i32
            %parallel_loop3A_221 = arith.constant 0 : i32
            %parallel_loop3A_222 = arith.cmpi slt, %parallel_loop3A_202, %parallel_loop3A_221 : i32
            %parallel_loop3A_223 = arith.extui %parallel_loop3A_222 : i1 to i32
            %parallel_loop3A_224 = arith.subi %parallel_loop3A_220, %parallel_loop3A_223 : i32
            %parallel_loop3A_225 = arith.constant 0 : i32
            %parallel_loop3A_226 = arith.cmpi sgt, %parallel_loop3A_216, %parallel_loop3A_225 : i32
            %parallel_loop3A_227 = arith.extui %parallel_loop3A_226 : i1 to i32
            %parallel_loop3A_228 = arith.constant 0 : i32
            %parallel_loop3A_229 = arith.cmpi slt, %parallel_loop3A_216, %parallel_loop3A_228 : i32
            %parallel_loop3A_230 = arith.extui %parallel_loop3A_229 : i1 to i32
            %parallel_loop3A_231 = arith.subi %parallel_loop3A_227, %parallel_loop3A_230 : i32
            %parallel_loop3A_232 = arith.cmpi ne, %parallel_loop3A_224, %parallel_loop3A_231 : i32
            %parallel_loop3A_233 = arith.remsi %parallel_loop3A_202, %parallel_loop3A_216 : i32
            %parallel_loop3A_234 = arith.constant 0 : i32
            %parallel_loop3A_235 = arith.cmpi ne, %parallel_loop3A_233, %parallel_loop3A_234 : i32
            %parallel_loop3A_236 = arith.andi %parallel_loop3A_232, %parallel_loop3A_235 : i1
            %parallel_loop3A_237 = arith.constant 1 : i32
            %parallel_loop3A_238 = arith.subi %parallel_loop3A_217, %parallel_loop3A_237 : i32
            %parallel_loop3A_239 = arith.select %parallel_loop3A_236, %parallel_loop3A_238, %parallel_loop3A_217 : i32
            %parallel_loop3A_240 = arith.constant 8 : i32
            %parallel_loop3A_241 = arith.constant 0 : i32
            %parallel_loop3A_242 = arith.cmpi eq, %parallel_loop3A_240, %parallel_loop3A_241 : i32
            %parallel_loop3A_243 = arith.constant 1 : i32
            %parallel_loop3A_244 = arith.select %parallel_loop3A_242, %parallel_loop3A_243, %parallel_loop3A_240 : i32
            %parallel_loop3A_245 = arith.remsi %parallel_loop3A_202, %parallel_loop3A_244 : i32
            %parallel_loop3A_246 = arith.constant 0 : i32
            %parallel_loop3A_247 = arith.cmpi ne, %parallel_loop3A_245, %parallel_loop3A_246 : i32
            %parallel_loop3A_248 = arith.constant 0 : i32
            %parallel_loop3A_249 = arith.cmpi slt, %parallel_loop3A_245, %parallel_loop3A_248 : i32
            %parallel_loop3A_250 = arith.constant 0 : i32
            %parallel_loop3A_251 = arith.cmpi slt, %parallel_loop3A_244, %parallel_loop3A_250 : i32
            %parallel_loop3A_252 = arith.xori %parallel_loop3A_249, %parallel_loop3A_251 : i1
            %parallel_loop3A_253 = arith.andi %parallel_loop3A_252, %parallel_loop3A_247 : i1
            %parallel_loop3A_254 = arith.addi %parallel_loop3A_245, %parallel_loop3A_244 : i32
            %parallel_loop3A_255 = arith.select %parallel_loop3A_253, %parallel_loop3A_254, %parallel_loop3A_245 : i32
            %parallel_loop3A_256 = arith.constant 16 : i32
            %parallel_loop3A_257 = arith.muli %parallel_loop3A_255, %parallel_loop3A_256 : i32
            %parallel_loop3A_258 = arith.constant 0 : i32
            %parallel_loop3A_259 = vector.broadcast %parallel_loop3A_258 : i32 to vector<16xi32>
            %parallel_loop3A_260 = arith.addi %parallel_loop3A_212, %parallel_loop3A_259 : vector<16xi32>
            %parallel_loop3A_261 = tpu.vector_load_idx %arg14[%parallel_loop3A_260, %parallel_loop3A_215] : memref<64x128xf32, #tpu.memory_space<vmem>>[vector<16xi32>, vector<16xi32>], vector<16xf32>,
            %parallel_loop3A_262 = arith.constant 8 : i32
            %parallel_loop3A_263 = arith.muli %parallel_loop3A_239, %parallel_loop3A_262 : i32
            %parallel_loop3A_264 = arith.constant 0 : i32
            %parallel_loop3A_265 = arith.addi %parallel_loop3A_263, %parallel_loop3A_264 : i32
            %parallel_loop3A_266 = arith.index_cast %parallel_loop3A_265 : i32 to index
            %parallel_loop3A_267 = arith.index_cast %parallel_loop3A_257 : i32 to index
            %parallel_loop3A_268 = tpu.vector_load %arg15[%parallel_loop3A_266, %parallel_loop3A_267] {strides = array<i32>} : memref<64x128xf32, #tpu.memory_space<vmem>>, vector<16xf32>,
            tpu.vector_store %arg15[%parallel_loop3A_266, %parallel_loop3A_267], %parallel_loop3A_261 {strides = array<i32>} : memref<64x128xf32, #tpu.memory_space<vmem>>, vector<16xf32>,
            %parallel_loop3A_269 = arith.constant 8 : i32
            %parallel_loop3A_270 = vector.broadcast %parallel_loop3A_269 : i32 to vector<16xi32>
            %parallel_loop3A_271 = arith.addi %parallel_loop3A_212, %parallel_loop3A_270 : vector<16xi32>
            %parallel_loop3A_272 = tpu.vector_load_idx %arg14[%parallel_loop3A_271, %parallel_loop3A_215] : memref<64x128xf32, #tpu.memory_space<vmem>>[vector<16xi32>, vector<16xi32>], vector<16xf32>,
            %parallel_loop3A_273 = arith.constant 8 : i32
            %parallel_loop3A_274 = arith.muli %parallel_loop3A_239, %parallel_loop3A_273 : i32
            %parallel_loop3A_275 = arith.constant 1 : i32
            %parallel_loop3A_276 = arith.addi %parallel_loop3A_274, %parallel_loop3A_275 : i32
            %parallel_loop3A_277 = arith.index_cast %parallel_loop3A_276 : i32 to index
            %parallel_loop3A_278 = arith.index_cast %parallel_loop3A_257 : i32 to index
            %parallel_loop3A_279 = tpu.vector_load %arg15[%parallel_loop3A_277, %parallel_loop3A_278] {strides = array<i32>} : memref<64x128xf32, #tpu.memory_space<vmem>>, vector<16xf32>,
            tpu.vector_store %arg15[%parallel_loop3A_277, %parallel_loop3A_278], %parallel_loop3A_272 {strides = array<i32>} : memref<64x128xf32, #tpu.memory_space<vmem>>, vector<16xf32>,
            %parallel_loop3A_280 = arith.constant 16 : i32
            %parallel_loop3A_281 = vector.broadcast %parallel_loop3A_280 : i32 to vector<16xi32>
            %parallel_loop3A_282 = arith.addi %parallel_loop3A_212, %parallel_loop3A_281 : vector<16xi32>
            %parallel_loop3A_283 = tpu.vector_load_idx %arg14[%parallel_loop3A_282, %parallel_loop3A_215] : memref<64x128xf32, #tpu.memory_space<vmem>>[vector<16xi32>, vector<16xi32>], vector<16xf32>,
            %parallel_loop3A_284 = arith.constant 8 : i32
            %parallel_loop3A_285 = arith.muli %parallel_loop3A_239, %parallel_loop3A_284 : i32
            %parallel_loop3A_286 = arith.constant 2 : i32
            %parallel_loop3A_287 = arith.addi %parallel_loop3A_285, %parallel_loop3A_286 : i32
            %parallel_loop3A_288 = arith.index_cast %parallel_loop3A_287 : i32 to index
            %parallel_loop3A_289 = arith.index_cast %parallel_loop3A_257 : i32 to index
            %parallel_loop3A_290 = tpu.vector_load %arg15[%parallel_loop3A_288, %parallel_loop3A_289] {strides = array<i32>} : memref<64x128xf32, #tpu.memory_space<vmem>>, vector<16xf32>,
            tpu.vector_store %arg15[%parallel_loop3A_288, %parallel_loop3A_289], %parallel_loop3A_283 {strides = array<i32>} : memref<64x128xf32, #tpu.memory_space<vmem>>, vector<16xf32>,
            %parallel_loop3A_291 = arith.constant 24 : i32
            %parallel_loop3A_292 = vector.broadcast %parallel_loop3A_291 : i32 to vector<16xi32>
            %parallel_loop3A_293 = arith.addi %parallel_loop3A_212, %parallel_loop3A_292 : vector<16xi32>
            %parallel_loop3A_294 = tpu.vector_load_idx %arg14[%parallel_loop3A_293, %parallel_loop3A_215] : memref<64x128xf32, #tpu.memory_space<vmem>>[vector<16xi32>, vector<16xi32>], vector<16xf32>,
            %parallel_loop3A_295 = arith.constant 8 : i32
            %parallel_loop3A_296 = arith.muli %parallel_loop3A_239, %parallel_loop3A_295 : i32
            %parallel_loop3A_297 = arith.constant 3 : i32
            %parallel_loop3A_298 = arith.addi %parallel_loop3A_296, %parallel_loop3A_297 : i32
            %parallel_loop3A_299 = arith.index_cast %parallel_loop3A_298 : i32 to index
            %parallel_loop3A_300 = arith.index_cast %parallel_loop3A_257 : i32 to index
            %parallel_loop3A_301 = tpu.vector_load %arg15[%parallel_loop3A_299, %parallel_loop3A_300] {strides = array<i32>} : memref<64x128xf32, #tpu.memory_space<vmem>>, vector<16xf32>,
            tpu.vector_store %arg15[%parallel_loop3A_299, %parallel_loop3A_300], %parallel_loop3A_294 {strides = array<i32>} : memref<64x128xf32, #tpu.memory_space<vmem>>, vector<16xf32>,
            %parallel_loop3A_302 = arith.constant 32 : i32
            %parallel_loop3A_303 = vector.broadcast %parallel_loop3A_302 : i32 to vector<16xi32>
            %parallel_loop3A_304 = arith.addi %parallel_loop3A_212, %parallel_loop3A_303 : vector<16xi32>
            %parallel_loop3A_305 = tpu.vector_load_idx %arg14[%parallel_loop3A_304, %parallel_loop3A_215] : memref<64x128xf32, #tpu.memory_space<vmem>>[vector<16xi32>, vector<16xi32>], vector<16xf32>,
            %parallel_loop3A_306 = arith.constant 8 : i32
            %parallel_loop3A_307 = arith.muli %parallel_loop3A_239, %parallel_loop3A_306 : i32
            %parallel_loop3A_308 = arith.constant 4 : i32
            %parallel_loop3A_309 = arith.addi %parallel_loop3A_307, %parallel_loop3A_308 : i32
            %parallel_loop3A_310 = arith.index_cast %parallel_loop3A_309 : i32 to index
            %parallel_loop3A_311 = arith.index_cast %parallel_loop3A_257 : i32 to index
            %parallel_loop3A_312 = tpu.vector_load %arg15[%parallel_loop3A_310, %parallel_loop3A_311] {strides = array<i32>} : memref<64x128xf32, #tpu.memory_space<vmem>>, vector<16xf32>,
            tpu.vector_store %arg15[%parallel_loop3A_310, %parallel_loop3A_311], %parallel_loop3A_305 {strides = array<i32>} : memref<64x128xf32, #tpu.memory_space<vmem>>, vector<16xf32>,
            %parallel_loop3A_313 = arith.constant 40 : i32
            %parallel_loop3A_314 = vector.broadcast %parallel_loop3A_313 : i32 to vector<16xi32>
            %parallel_loop3A_315 = arith.addi %parallel_loop3A_212, %parallel_loop3A_314 : vector<16xi32>
            %parallel_loop3A_316 = tpu.vector_load_idx %arg14[%parallel_loop3A_315, %parallel_loop3A_215] : memref<64x128xf32, #tpu.memory_space<vmem>>[vector<16xi32>, vector<16xi32>], vector<16xf32>,
            %parallel_loop3A_317 = arith.constant 8 : i32
            %parallel_loop3A_318 = arith.muli %parallel_loop3A_239, %parallel_loop3A_317 : i32
            %parallel_loop3A_319 = arith.constant 5 : i32
            %parallel_loop3A_320 = arith.addi %parallel_loop3A_318, %parallel_loop3A_319 : i32
            %parallel_loop3A_321 = arith.index_cast %parallel_loop3A_320 : i32 to index
            %parallel_loop3A_322 = arith.index_cast %parallel_loop3A_257 : i32 to index
            %parallel_loop3A_323 = tpu.vector_load %arg15[%parallel_loop3A_321, %parallel_loop3A_322] {strides = array<i32>} : memref<64x128xf32, #tpu.memory_space<vmem>>, vector<16xf32>,
            tpu.vector_store %arg15[%parallel_loop3A_321, %parallel_loop3A_322], %parallel_loop3A_316 {strides = array<i32>} : memref<64x128xf32, #tpu.memory_space<vmem>>, vector<16xf32>,
            %parallel_loop3A_324 = arith.constant 48 : i32
            %parallel_loop3A_325 = vector.broadcast %parallel_loop3A_324 : i32 to vector<16xi32>
            %parallel_loop3A_326 = arith.addi %parallel_loop3A_212, %parallel_loop3A_325 : vector<16xi32>
            %parallel_loop3A_327 = tpu.vector_load_idx %arg14[%parallel_loop3A_326, %parallel_loop3A_215] : memref<64x128xf32, #tpu.memory_space<vmem>>[vector<16xi32>, vector<16xi32>], vector<16xf32>,
            %parallel_loop3A_328 = arith.constant 8 : i32
            %parallel_loop3A_329 = arith.muli %parallel_loop3A_239, %parallel_loop3A_328 : i32
            %parallel_loop3A_330 = arith.constant 6 : i32
            %parallel_loop3A_331 = arith.addi %parallel_loop3A_329, %parallel_loop3A_330 : i32
            %parallel_loop3A_332 = arith.index_cast %parallel_loop3A_331 : i32 to index
            %parallel_loop3A_333 = arith.index_cast %parallel_loop3A_257 : i32 to index
            %parallel_loop3A_334 = tpu.vector_load %arg15[%parallel_loop3A_332, %parallel_loop3A_333] {strides = array<i32>} : memref<64x128xf32, #tpu.memory_space<vmem>>, vector<16xf32>,
            tpu.vector_store %arg15[%parallel_loop3A_332, %parallel_loop3A_333], %parallel_loop3A_327 {strides = array<i32>} : memref<64x128xf32, #tpu.memory_space<vmem>>, vector<16xf32>,
            %parallel_loop3A_335 = arith.constant 56 : i32
            %parallel_loop3A_336 = vector.broadcast %parallel_loop3A_335 : i32 to vector<16xi32>
            %parallel_loop3A_337 = arith.addi %parallel_loop3A_212, %parallel_loop3A_336 : vector<16xi32>
            %parallel_loop3A_338 = tpu.vector_load_idx %arg14[%parallel_loop3A_337, %parallel_loop3A_215] : memref<64x128xf32, #tpu.memory_space<vmem>>[vector<16xi32>, vector<16xi32>], vector<16xf32>,
            %parallel_loop3A_339 = arith.constant 8 : i32
            %parallel_loop3A_340 = arith.muli %parallel_loop3A_239, %parallel_loop3A_339 : i32
            %parallel_loop3A_341 = arith.constant 7 : i32
            %parallel_loop3A_342 = arith.addi %parallel_loop3A_340, %parallel_loop3A_341 : i32
            %parallel_loop3A_343 = arith.index_cast %parallel_loop3A_342 : i32 to index
            %parallel_loop3A_344 = arith.index_cast %parallel_loop3A_257 : i32 to index
            %parallel_loop3A_345 = tpu.vector_load %arg15[%parallel_loop3A_343, %parallel_loop3A_344] {strides = array<i32>} : memref<64x128xf32, #tpu.memory_space<vmem>>, vector<16xf32>,
            tpu.vector_store %arg15[%parallel_loop3A_343, %parallel_loop3A_344], %parallel_loop3A_338 {strides = array<i32>} : memref<64x128xf32, #tpu.memory_space<vmem>>, vector<16xf32>,
          } {sc.loop_unroll_factor = 4 : i64, sc.parallel_access}
          %mul3A_193 = arith.constant 8000 : i32
          %mul3A_194 = arith.muli %add3A_172, %mul3A_193 : i32
          %mul3A_195 = arith.constant 64 : i32
          %mul3A_196 = arith.muli %while3A_129, %mul3A_195 : i32
          %add3A_197 = arith.addi %mul3A_194, %mul3A_196 : i32
          %dma_start3A_198 = arith.constant 0 : i32
          %dma_start3A_199 = tpu.memref_slice %arg7[%add3A_197, %dma_start3A_198] : memref<400000x128xf32, #tpu.memory_space<hbm>> -> memref<64x128xf32, #tpu.memory_space<hbm>>
          %dma_start3A_200 = arith.constant 0 : i32
          %dma_start3A_201 = tpu.memref_slice %arg7[%add3A_197, %dma_start3A_200] : memref<400000x128xf32, #tpu.memory_space<hbm>> -> memref<64x128xf32, #tpu.memory_space<hbm>>
          tpu.enqueue_dma source(%arg15 : memref<64x128xf32, #tpu.memory_space<vmem>>) target(%dma_start3A_201 : memref<64x128xf32, #tpu.memory_space<hbm>>) target_semaphore(%arg20 : memref<!tpu.dma_semaphore, #tpu.memory_space<semaphore_mem>>)
        } else {
        }
        %mul3A_176 = arith.constant 2 : i32
        %mul3A_177 = arith.muli %scan3A_166, %mul3A_176 : i32
        %add3A_178 = arith.constant 1 : i32
        %add3A_179 = arith.addi %mul3A_177, %add3A_178 : i32
        %add3A_180 = arith.addi %max3A_140, %add3A_179 : i32
        %lt3A_181 = arith.cmpi slt, %add3A_180, %min3A_144 : i32
        %convert_element_type3A_182 = arith.extui %lt3A_181 : i1 to i32
        %cond3A_183 = arith.constant 0 : i32
        %cond3A_184 = arith.cmpi ne, %convert_element_type3A_182, %cond3A_183 : i32
        scf.if %cond3A_184 {
          %ge3A_186 = arith.constant 2 : i32
          %ge3A_187 = arith.cmpi sge, %add3A_179, %ge3A_186 : i32
          %convert_element_type3A_188 = arith.extui %ge3A_187 : i1 to i32
          %cond3A_189 = arith.constant 0 : i32
          %cond3A_190 = arith.cmpi ne, %convert_element_type3A_188, %cond3A_189 : i32
          scf.if %cond3A_190 {
            %dma_wait3A_202 = arith.constant 0 : i32
            %dma_wait3A_203 = arith.constant 0 : i32
            %dma_wait3A_204 = tpu.memref_slice %arg7[%dma_wait3A_202, %dma_wait3A_203] : memref<400000x128xf32, #tpu.memory_space<hbm>> -> memref<64x128xf32, #tpu.memory_space<hbm>>
            %dma_wait3A_205 = arith.constant 0 : i32
            %dma_wait3A_206 = arith.constant 0 : i32
            %dma_wait3A_207 = tpu.memref_slice %arg7[%dma_wait3A_205, %dma_wait3A_206] : memref<400000x128xf32, #tpu.memory_space<hbm>> -> memref<64x128xf32, #tpu.memory_space<hbm>>
            tpu.wait_dma2 semaphore(%arg21 : memref<!tpu.dma_semaphore, #tpu.memory_space<semaphore_mem>>) src(%arg16 : memref<64x128xf32, #tpu.memory_space<vmem>>) dst(%dma_wait3A_207 : memref<64x128xf32, #tpu.memory_space<hbm>>)
          } else {
          }
          %parallel_loop3A = arith.constant 0 : i32
          %parallel_loop3A_191 = arith.constant 64 : i32
          %parallel_loop3A_192 = arith.constant 1 : i32
          scf.for %parallel_loop3A_202 = %parallel_loop3A to %parallel_loop3A_191 step %parallel_loop3A_192  : i32 {
            %parallel_loop3A_203 = arith.constant 1024 : i32
            %parallel_loop3A_204 = arith.muli %add3A_180, %parallel_loop3A_203 : i32
            %parallel_loop3A_205 = arith.constant 16 : i32
            %parallel_loop3A_206 = arith.muli %parallel_loop3A_202, %parallel_loop3A_205 : i32
            %parallel_loop3A_207 = arith.addi %parallel_loop3A_204, %parallel_loop3A_206 : i32
            %parallel_loop3A_208 = arith.index_cast %parallel_loop3A_207 : i32 to index
            %parallel_loop3A_209 = tpu.vector_load %arg9[%parallel_loop3A_208] {strides = array<i32>} : memref<51200xi32, #tpu.memory_space<vmem>>, vector<16xi32>,
            %parallel_loop3A_210 = arith.constant 7 : i32
            %parallel_loop3A_211 = vector.broadcast %parallel_loop3A_210 : i32 to vector<16xi32>
            %parallel_loop3A_212 = arith.shrsi %parallel_loop3A_209, %parallel_loop3A_211 : vector<16xi32>
            %parallel_loop3A_213 = arith.constant 127 : i32
            %parallel_loop3A_214 = vector.broadcast %parallel_loop3A_213 : i32 to vector<16xi32>
            %parallel_loop3A_215 = arith.andi %parallel_loop3A_209, %parallel_loop3A_214 : vector<16xi32>
            %parallel_loop3A_216 = arith.constant 8 : i32
            %parallel_loop3A_217 = arith.divsi %parallel_loop3A_202, %parallel_loop3A_216 : i32
            %parallel_loop3A_218 = arith.constant 0 : i32
            %parallel_loop3A_219 = arith.cmpi sgt, %parallel_loop3A_202, %parallel_loop3A_218 : i32
            %parallel_loop3A_220 = arith.extui %parallel_loop3A_219 : i1 to i32
            %parallel_loop3A_221 = arith.constant 0 : i32
            %parallel_loop3A_222 = arith.cmpi slt, %parallel_loop3A_202, %parallel_loop3A_221 : i32
            %parallel_loop3A_223 = arith.extui %parallel_loop3A_222 : i1 to i32
            %parallel_loop3A_224 = arith.subi %parallel_loop3A_220, %parallel_loop3A_223 : i32
            %parallel_loop3A_225 = arith.constant 0 : i32
            %parallel_loop3A_226 = arith.cmpi sgt, %parallel_loop3A_216, %parallel_loop3A_225 : i32
            %parallel_loop3A_227 = arith.extui %parallel_loop3A_226 : i1 to i32
            %parallel_loop3A_228 = arith.constant 0 : i32
            %parallel_loop3A_229 = arith.cmpi slt, %parallel_loop3A_216, %parallel_loop3A_228 : i32
            %parallel_loop3A_230 = arith.extui %parallel_loop3A_229 : i1 to i32
            %parallel_loop3A_231 = arith.subi %parallel_loop3A_227, %parallel_loop3A_230 : i32
            %parallel_loop3A_232 = arith.cmpi ne, %parallel_loop3A_224, %parallel_loop3A_231 : i32
            %parallel_loop3A_233 = arith.remsi %parallel_loop3A_202, %parallel_loop3A_216 : i32
            %parallel_loop3A_234 = arith.constant 0 : i32
            %parallel_loop3A_235 = arith.cmpi ne, %parallel_loop3A_233, %parallel_loop3A_234 : i32
            %parallel_loop3A_236 = arith.andi %parallel_loop3A_232, %parallel_loop3A_235 : i1
            %parallel_loop3A_237 = arith.constant 1 : i32
            %parallel_loop3A_238 = arith.subi %parallel_loop3A_217, %parallel_loop3A_237 : i32
            %parallel_loop3A_239 = arith.select %parallel_loop3A_236, %parallel_loop3A_238, %parallel_loop3A_217 : i32
            %parallel_loop3A_240 = arith.constant 8 : i32
            %parallel_loop3A_241 = arith.constant 0 : i32
            %parallel_loop3A_242 = arith.cmpi eq, %parallel_loop3A_240, %parallel_loop3A_241 : i32
            %parallel_loop3A_243 = arith.constant 1 : i32
            %parallel_loop3A_244 = arith.select %parallel_loop3A_242, %parallel_loop3A_243, %parallel_loop3A_240 : i32
            %parallel_loop3A_245 = arith.remsi %parallel_loop3A_202, %parallel_loop3A_244 : i32
            %parallel_loop3A_246 = arith.constant 0 : i32
            %parallel_loop3A_247 = arith.cmpi ne, %parallel_loop3A_245, %parallel_loop3A_246 : i32
            %parallel_loop3A_248 = arith.constant 0 : i32
            %parallel_loop3A_249 = arith.cmpi slt, %parallel_loop3A_245, %parallel_loop3A_248 : i32
            %parallel_loop3A_250 = arith.constant 0 : i32
            %parallel_loop3A_251 = arith.cmpi slt, %parallel_loop3A_244, %parallel_loop3A_250 : i32
            %parallel_loop3A_252 = arith.xori %parallel_loop3A_249, %parallel_loop3A_251 : i1
            %parallel_loop3A_253 = arith.andi %parallel_loop3A_252, %parallel_loop3A_247 : i1
            %parallel_loop3A_254 = arith.addi %parallel_loop3A_245, %parallel_loop3A_244 : i32
            %parallel_loop3A_255 = arith.select %parallel_loop3A_253, %parallel_loop3A_254, %parallel_loop3A_245 : i32
            %parallel_loop3A_256 = arith.constant 16 : i32
            %parallel_loop3A_257 = arith.muli %parallel_loop3A_255, %parallel_loop3A_256 : i32
            %parallel_loop3A_258 = arith.constant 0 : i32
            %parallel_loop3A_259 = vector.broadcast %parallel_loop3A_258 : i32 to vector<16xi32>
            %parallel_loop3A_260 = arith.addi %parallel_loop3A_212, %parallel_loop3A_259 : vector<16xi32>
            %parallel_loop3A_261 = tpu.vector_load_idx %arg14[%parallel_loop3A_260, %parallel_loop3A_215] : memref<64x128xf32, #tpu.memory_space<vmem>>[vector<16xi32>, vector<16xi32>], vector<16xf32>,
            %parallel_loop3A_262 = arith.constant 8 : i32
            %parallel_loop3A_263 = arith.muli %parallel_loop3A_239, %parallel_loop3A_262 : i32
            %parallel_loop3A_264 = arith.constant 0 : i32
            %parallel_loop3A_265 = arith.addi %parallel_loop3A_263, %parallel_loop3A_264 : i32
            %parallel_loop3A_266 = arith.index_cast %parallel_loop3A_265 : i32 to index
            %parallel_loop3A_267 = arith.index_cast %parallel_loop3A_257 : i32 to index
            %parallel_loop3A_268 = tpu.vector_load %arg16[%parallel_loop3A_266, %parallel_loop3A_267] {strides = array<i32>} : memref<64x128xf32, #tpu.memory_space<vmem>>, vector<16xf32>,
            tpu.vector_store %arg16[%parallel_loop3A_266, %parallel_loop3A_267], %parallel_loop3A_261 {strides = array<i32>} : memref<64x128xf32, #tpu.memory_space<vmem>>, vector<16xf32>,
            %parallel_loop3A_269 = arith.constant 8 : i32
            %parallel_loop3A_270 = vector.broadcast %parallel_loop3A_269 : i32 to vector<16xi32>
            %parallel_loop3A_271 = arith.addi %parallel_loop3A_212, %parallel_loop3A_270 : vector<16xi32>
            %parallel_loop3A_272 = tpu.vector_load_idx %arg14[%parallel_loop3A_271, %parallel_loop3A_215] : memref<64x128xf32, #tpu.memory_space<vmem>>[vector<16xi32>, vector<16xi32>], vector<16xf32>,
            %parallel_loop3A_273 = arith.constant 8 : i32
            %parallel_loop3A_274 = arith.muli %parallel_loop3A_239, %parallel_loop3A_273 : i32
            %parallel_loop3A_275 = arith.constant 1 : i32
            %parallel_loop3A_276 = arith.addi %parallel_loop3A_274, %parallel_loop3A_275 : i32
            %parallel_loop3A_277 = arith.index_cast %parallel_loop3A_276 : i32 to index
            %parallel_loop3A_278 = arith.index_cast %parallel_loop3A_257 : i32 to index
            %parallel_loop3A_279 = tpu.vector_load %arg16[%parallel_loop3A_277, %parallel_loop3A_278] {strides = array<i32>} : memref<64x128xf32, #tpu.memory_space<vmem>>, vector<16xf32>,
            tpu.vector_store %arg16[%parallel_loop3A_277, %parallel_loop3A_278], %parallel_loop3A_272 {strides = array<i32>} : memref<64x128xf32, #tpu.memory_space<vmem>>, vector<16xf32>,
            %parallel_loop3A_280 = arith.constant 16 : i32
            %parallel_loop3A_281 = vector.broadcast %parallel_loop3A_280 : i32 to vector<16xi32>
            %parallel_loop3A_282 = arith.addi %parallel_loop3A_212, %parallel_loop3A_281 : vector<16xi32>
            %parallel_loop3A_283 = tpu.vector_load_idx %arg14[%parallel_loop3A_282, %parallel_loop3A_215] : memref<64x128xf32, #tpu.memory_space<vmem>>[vector<16xi32>, vector<16xi32>], vector<16xf32>,
            %parallel_loop3A_284 = arith.constant 8 : i32
            %parallel_loop3A_285 = arith.muli %parallel_loop3A_239, %parallel_loop3A_284 : i32
            %parallel_loop3A_286 = arith.constant 2 : i32
            %parallel_loop3A_287 = arith.addi %parallel_loop3A_285, %parallel_loop3A_286 : i32
            %parallel_loop3A_288 = arith.index_cast %parallel_loop3A_287 : i32 to index
            %parallel_loop3A_289 = arith.index_cast %parallel_loop3A_257 : i32 to index
            %parallel_loop3A_290 = tpu.vector_load %arg16[%parallel_loop3A_288, %parallel_loop3A_289] {strides = array<i32>} : memref<64x128xf32, #tpu.memory_space<vmem>>, vector<16xf32>,
            tpu.vector_store %arg16[%parallel_loop3A_288, %parallel_loop3A_289], %parallel_loop3A_283 {strides = array<i32>} : memref<64x128xf32, #tpu.memory_space<vmem>>, vector<16xf32>,
            %parallel_loop3A_291 = arith.constant 24 : i32
            %parallel_loop3A_292 = vector.broadcast %parallel_loop3A_291 : i32 to vector<16xi32>
            %parallel_loop3A_293 = arith.addi %parallel_loop3A_212, %parallel_loop3A_292 : vector<16xi32>
            %parallel_loop3A_294 = tpu.vector_load_idx %arg14[%parallel_loop3A_293, %parallel_loop3A_215] : memref<64x128xf32, #tpu.memory_space<vmem>>[vector<16xi32>, vector<16xi32>], vector<16xf32>,
            %parallel_loop3A_295 = arith.constant 8 : i32
            %parallel_loop3A_296 = arith.muli %parallel_loop3A_239, %parallel_loop3A_295 : i32
            %parallel_loop3A_297 = arith.constant 3 : i32
            %parallel_loop3A_298 = arith.addi %parallel_loop3A_296, %parallel_loop3A_297 : i32
            %parallel_loop3A_299 = arith.index_cast %parallel_loop3A_298 : i32 to index
            %parallel_loop3A_300 = arith.index_cast %parallel_loop3A_257 : i32 to index
            %parallel_loop3A_301 = tpu.vector_load %arg16[%parallel_loop3A_299, %parallel_loop3A_300] {strides = array<i32>} : memref<64x128xf32, #tpu.memory_space<vmem>>, vector<16xf32>,
            tpu.vector_store %arg16[%parallel_loop3A_299, %parallel_loop3A_300], %parallel_loop3A_294 {strides = array<i32>} : memref<64x128xf32, #tpu.memory_space<vmem>>, vector<16xf32>,
            %parallel_loop3A_302 = arith.constant 32 : i32
            %parallel_loop3A_303 = vector.broadcast %parallel_loop3A_302 : i32 to vector<16xi32>
            %parallel_loop3A_304 = arith.addi %parallel_loop3A_212, %parallel_loop3A_303 : vector<16xi32>
            %parallel_loop3A_305 = tpu.vector_load_idx %arg14[%parallel_loop3A_304, %parallel_loop3A_215] : memref<64x128xf32, #tpu.memory_space<vmem>>[vector<16xi32>, vector<16xi32>], vector<16xf32>,
            %parallel_loop3A_306 = arith.constant 8 : i32
            %parallel_loop3A_307 = arith.muli %parallel_loop3A_239, %parallel_loop3A_306 : i32
            %parallel_loop3A_308 = arith.constant 4 : i32
            %parallel_loop3A_309 = arith.addi %parallel_loop3A_307, %parallel_loop3A_308 : i32
            %parallel_loop3A_310 = arith.index_cast %parallel_loop3A_309 : i32 to index
            %parallel_loop3A_311 = arith.index_cast %parallel_loop3A_257 : i32 to index
            %parallel_loop3A_312 = tpu.vector_load %arg16[%parallel_loop3A_310, %parallel_loop3A_311] {strides = array<i32>} : memref<64x128xf32, #tpu.memory_space<vmem>>, vector<16xf32>,
            tpu.vector_store %arg16[%parallel_loop3A_310, %parallel_loop3A_311], %parallel_loop3A_305 {strides = array<i32>} : memref<64x128xf32, #tpu.memory_space<vmem>>, vector<16xf32>,
            %parallel_loop3A_313 = arith.constant 40 : i32
            %parallel_loop3A_314 = vector.broadcast %parallel_loop3A_313 : i32 to vector<16xi32>
            %parallel_loop3A_315 = arith.addi %parallel_loop3A_212, %parallel_loop3A_314 : vector<16xi32>
            %parallel_loop3A_316 = tpu.vector_load_idx %arg14[%parallel_loop3A_315, %parallel_loop3A_215] : memref<64x128xf32, #tpu.memory_space<vmem>>[vector<16xi32>, vector<16xi32>], vector<16xf32>,
            %parallel_loop3A_317 = arith.constant 8 : i32
            %parallel_loop3A_318 = arith.muli %parallel_loop3A_239, %parallel_loop3A_317 : i32
            %parallel_loop3A_319 = arith.constant 5 : i32
            %parallel_loop3A_320 = arith.addi %parallel_loop3A_318, %parallel_loop3A_319 : i32
            %parallel_loop3A_321 = arith.index_cast %parallel_loop3A_320 : i32 to index
            %parallel_loop3A_322 = arith.index_cast %parallel_loop3A_257 : i32 to index
            %parallel_loop3A_323 = tpu.vector_load %arg16[%parallel_loop3A_321, %parallel_loop3A_322] {strides = array<i32>} : memref<64x128xf32, #tpu.memory_space<vmem>>, vector<16xf32>,
            tpu.vector_store %arg16[%parallel_loop3A_321, %parallel_loop3A_322], %parallel_loop3A_316 {strides = array<i32>} : memref<64x128xf32, #tpu.memory_space<vmem>>, vector<16xf32>,
            %parallel_loop3A_324 = arith.constant 48 : i32
            %parallel_loop3A_325 = vector.broadcast %parallel_loop3A_324 : i32 to vector<16xi32>
            %parallel_loop3A_326 = arith.addi %parallel_loop3A_212, %parallel_loop3A_325 : vector<16xi32>
            %parallel_loop3A_327 = tpu.vector_load_idx %arg14[%parallel_loop3A_326, %parallel_loop3A_215] : memref<64x128xf32, #tpu.memory_space<vmem>>[vector<16xi32>, vector<16xi32>], vector<16xf32>,
            %parallel_loop3A_328 = arith.constant 8 : i32
            %parallel_loop3A_329 = arith.muli %parallel_loop3A_239, %parallel_loop3A_328 : i32
            %parallel_loop3A_330 = arith.constant 6 : i32
            %parallel_loop3A_331 = arith.addi %parallel_loop3A_329, %parallel_loop3A_330 : i32
            %parallel_loop3A_332 = arith.index_cast %parallel_loop3A_331 : i32 to index
            %parallel_loop3A_333 = arith.index_cast %parallel_loop3A_257 : i32 to index
            %parallel_loop3A_334 = tpu.vector_load %arg16[%parallel_loop3A_332, %parallel_loop3A_333] {strides = array<i32>} : memref<64x128xf32, #tpu.memory_space<vmem>>, vector<16xf32>,
            tpu.vector_store %arg16[%parallel_loop3A_332, %parallel_loop3A_333], %parallel_loop3A_327 {strides = array<i32>} : memref<64x128xf32, #tpu.memory_space<vmem>>, vector<16xf32>,
            %parallel_loop3A_335 = arith.constant 56 : i32
            %parallel_loop3A_336 = vector.broadcast %parallel_loop3A_335 : i32 to vector<16xi32>
            %parallel_loop3A_337 = arith.addi %parallel_loop3A_212, %parallel_loop3A_336 : vector<16xi32>
            %parallel_loop3A_338 = tpu.vector_load_idx %arg14[%parallel_loop3A_337, %parallel_loop3A_215] : memref<64x128xf32, #tpu.memory_space<vmem>>[vector<16xi32>, vector<16xi32>], vector<16xf32>,
            %parallel_loop3A_339 = arith.constant 8 : i32
            %parallel_loop3A_340 = arith.muli %parallel_loop3A_239, %parallel_loop3A_339 : i32
            %parallel_loop3A_341 = arith.constant 7 : i32
            %parallel_loop3A_342 = arith.addi %parallel_loop3A_340, %parallel_loop3A_341 : i32
            %parallel_loop3A_343 = arith.index_cast %parallel_loop3A_342 : i32 to index
            %parallel_loop3A_344 = arith.index_cast %parallel_loop3A_257 : i32 to index
            %parallel_loop3A_345 = tpu.vector_load %arg16[%parallel_loop3A_343, %parallel_loop3A_344] {strides = array<i32>} : memref<64x128xf32, #tpu.memory_space<vmem>>, vector<16xf32>,
            tpu.vector_store %arg16[%parallel_loop3A_343, %parallel_loop3A_344], %parallel_loop3A_338 {strides = array<i32>} : memref<64x128xf32, #tpu.memory_space<vmem>>, vector<16xf32>,
          } {sc.loop_unroll_factor = 4 : i64, sc.parallel_access}
          %mul3A_193 = arith.constant 8000 : i32
          %mul3A_194 = arith.muli %add3A_180, %mul3A_193 : i32
          %mul3A_195 = arith.constant 64 : i32
          %mul3A_196 = arith.muli %while3A_129, %mul3A_195 : i32
          %add3A_197 = arith.addi %mul3A_194, %mul3A_196 : i32
          %dma_start3A_198 = arith.constant 0 : i32
          %dma_start3A_199 = tpu.memref_slice %arg7[%add3A_197, %dma_start3A_198] : memref<400000x128xf32, #tpu.memory_space<hbm>> -> memref<64x128xf32, #tpu.memory_space<hbm>>
          %dma_start3A_200 = arith.constant 0 : i32
          %dma_start3A_201 = tpu.memref_slice %arg7[%add3A_197, %dma_start3A_200] : memref<400000x128xf32, #tpu.memory_space<hbm>> -> memref<64x128xf32, #tpu.memory_space<hbm>>
          tpu.enqueue_dma source(%arg16 : memref<64x128xf32, #tpu.memory_space<vmem>>) target(%dma_start3A_201 : memref<64x128xf32, #tpu.memory_space<hbm>>) target_semaphore(%arg21 : memref<!tpu.dma_semaphore, #tpu.memory_space<semaphore_mem>>)
        } else {
        }
        %scan3A_185 = arith.constant 0 : i32
        scf.yield %scan3A_185 : i32
      }
      %scan3A_158 = arith.constant 25 : i32
      %ge3A = arith.constant 2 : i32
      %ge3A_159 = arith.cmpi sge, %sub3A_151, %ge3A : i32
      %convert_element_type3A = arith.extui %ge3A_159 : i1 to i32
      %cond3A = arith.constant 0 : i32
      %cond3A_160 = arith.cmpi ne, %convert_element_type3A, %cond3A : i32
      scf.if %cond3A_160 {
        %dma_wait3A_166 = arith.constant 0 : i32
        %dma_wait3A_167 = arith.constant 0 : i32
        %dma_wait3A_168 = tpu.memref_slice %arg7[%dma_wait3A_166, %dma_wait3A_167] : memref<400000x128xf32, #tpu.memory_space<hbm>> -> memref<64x128xf32, #tpu.memory_space<hbm>>
        %dma_wait3A_169 = arith.constant 0 : i32
        %dma_wait3A_170 = arith.constant 0 : i32
        %dma_wait3A_171 = tpu.memref_slice %arg7[%dma_wait3A_169, %dma_wait3A_170] : memref<400000x128xf32, #tpu.memory_space<hbm>> -> memref<64x128xf32, #tpu.memory_space<hbm>>
        tpu.wait_dma2 semaphore(%arg20 : memref<!tpu.dma_semaphore, #tpu.memory_space<semaphore_mem>>) src(%arg15 : memref<64x128xf32, #tpu.memory_space<vmem>>) dst(%dma_wait3A_171 : memref<64x128xf32, #tpu.memory_space<hbm>>)
        %dma_wait3A_172 = arith.constant 0 : i32
        %dma_wait3A_173 = arith.constant 0 : i32
        %dma_wait3A_174 = tpu.memref_slice %arg7[%dma_wait3A_172, %dma_wait3A_173] : memref<400000x128xf32, #tpu.memory_space<hbm>> -> memref<64x128xf32, #tpu.memory_space<hbm>>
        %dma_wait3A_175 = arith.constant 0 : i32
        %dma_wait3A_176 = arith.constant 0 : i32
        %dma_wait3A_177 = tpu.memref_slice %arg7[%dma_wait3A_175, %dma_wait3A_176] : memref<400000x128xf32, #tpu.memory_space<hbm>> -> memref<64x128xf32, #tpu.memory_space<hbm>>
        tpu.wait_dma2 semaphore(%arg21 : memref<!tpu.dma_semaphore, #tpu.memory_space<semaphore_mem>>) src(%arg16 : memref<64x128xf32, #tpu.memory_space<vmem>>) dst(%dma_wait3A_177 : memref<64x128xf32, #tpu.memory_space<hbm>>)
      } else {
      }
      %eq3A = arith.constant 1 : i32
      %eq3A_161 = arith.cmpi eq, %sub3A_151, %eq3A : i32
      %convert_element_type3A_162 = arith.extui %eq3A_161 : i1 to i32
      %cond3A_163 = arith.constant 0 : i32
      %cond3A_164 = arith.cmpi ne, %convert_element_type3A_162, %cond3A_163 : i32
      scf.if %cond3A_164 {
        %dma_wait3A_166 = arith.constant 0 : i32
        %dma_wait3A_167 = arith.constant 0 : i32
        %dma_wait3A_168 = tpu.memref_slice %arg7[%dma_wait3A_166, %dma_wait3A_167] : memref<400000x128xf32, #tpu.memory_space<hbm>> -> memref<64x128xf32, #tpu.memory_space<hbm>>
        %dma_wait3A_169 = arith.constant 0 : i32
        %dma_wait3A_170 = arith.constant 0 : i32
        %dma_wait3A_171 = tpu.memref_slice %arg7[%dma_wait3A_169, %dma_wait3A_170] : memref<400000x128xf32, #tpu.memory_space<hbm>> -> memref<64x128xf32, #tpu.memory_space<hbm>>
        tpu.wait_dma2 semaphore(%arg20 : memref<!tpu.dma_semaphore, #tpu.memory_space<semaphore_mem>>) src(%arg15 : memref<64x128xf32, #tpu.memory_space<vmem>>) dst(%dma_wait3A_171 : memref<64x128xf32, #tpu.memory_space<hbm>>)
      } else {
      }
      %while3A_165 = arith.constant 0 : i32
      scf.yield %while3A_165 : i32
    }
    %dma_wait3A = arith.constant 0 : i32
    %dma_wait3A_118 = tpu.memref_slice %arg5[%dma_wait3A] : memref<1000008xf32, #tpu.memory_space<hbm>> -> memref<1000008xf32, #tpu.memory_space<hbm>>
    tpu.wait_indirect_dma semaphore(%arg18 : memref<!tpu.dma_semaphore, #tpu.memory_space<semaphore_mem>>) src(%dma_wait3A_118 : memref<1000008xf32, #tpu.memory_space<hbm>>) dst(%arg12 : memref<1600xf32, #tpu.memory_space<vmem>>)
    %broadcast_in_dim3A = arith.constant 0.000000e+00 : f32
    %broadcast_in_dim3A_119 = vector.broadcast %broadcast_in_dim3A : f32 to vector<16xf32>
    %scan3A_120 = arith.constant 0 : i32
    %scan3A_121 = arith.constant 100 : i32
    %scan3A_122 = arith.addi %scan3A_120, %scan3A_121 : i32
    %scan3A_123 = arith.constant 1 : i32
    %scan3A_124 = scf.for %scan3A_129 = %scan3A_120 to %scan3A_122 step %scan3A_123 iter_args(%scan3A_130 = %broadcast_in_dim3A_119) -> (vector<16xf32>)  : i32 {
      %mul3A_131 = arith.constant 16 : i32
      %mul3A_132 = arith.muli %scan3A_129, %mul3A_131 : i32
      %add3A_133 = arith.addi %mul3A_2, %mul3A_132 : i32
      %get3A = arith.index_cast %add3A_133 : i32 to index
      %get3A_134 = tpu.vector_load %arg9[%get3A] {strides = array<i32>} : memref<51200xi32, #tpu.memory_space<vmem>>, vector<16xi32>,
      %gather3A = tpu.vector_load_idx %arg13[%get3A_134] : memref<1000xf32, #tpu.memory_space<vmem>>[vector<16xi32>], vector<16xf32>,
      %mul3A_135 = arith.constant 16 : i32
      %mul3A_136 = arith.muli %scan3A_129, %mul3A_135 : i32
      %get3A_137 = arith.index_cast %mul3A_136 : i32 to index
      %get3A_138 = tpu.vector_load %arg12[%get3A_137] {strides = array<i32>} : memref<1600xf32, #tpu.memory_space<vmem>>, vector<16xf32>,
      %sub3A_139 = arith.subf %gather3A, %get3A_138 : vector<16xf32>
      %add3A_140 = arith.addf %scan3A_130, %sub3A_139 : vector<16xf32>
      scf.yield %add3A_140 : vector<16xf32>
    }
    %scan3A_125 = arith.constant 100 : i32
    %swap3A = arith.constant 0 : index
    %swap3A_126 = tpu.vector_load %arg17[%swap3A] {strides = array<i32>} : memref<16xf32, #tpu.memory_space<vmem>>, vector<16xf32>,
    tpu.vector_store %arg17[%swap3A], %scan3A_124 {strides = array<i32>} : memref<16xf32, #tpu.memory_space<vmem>>, vector<16xf32>,
    %mul3A_127 = arith.constant 16 : i32
    %mul3A_128 = arith.muli %add3A, %mul3A_127 : i32
    "tpu.region"() ({
      %run_scoped3A = tpu.sem_alloc : memref<!tpu.dma_semaphore, #tpu.memory_space<semaphore_mem>>
      %dma_start3A_129 = tpu.memref_slice %arg8[%mul3A_128] : memref<512xf32, #tpu.memory_space<hbm>> -> memref<16xf32, #tpu.memory_space<hbm>>
      %dma_start3A_130 = tpu.memref_slice %arg8[%mul3A_128] : memref<512xf32, #tpu.memory_space<hbm>> -> memref<16xf32, #tpu.memory_space<hbm>>
      tpu.enqueue_dma source(%arg17 : memref<16xf32, #tpu.memory_space<vmem>>) target(%dma_start3A_130 : memref<16xf32, #tpu.memory_space<hbm>>) target_semaphore(%run_scoped3A : memref<!tpu.dma_semaphore, #tpu.memory_space<semaphore_mem>>)
      %dma_wait3A_131 = tpu.memref_slice %arg8[%mul3A_128] : memref<512xf32, #tpu.memory_space<hbm>> -> memref<16xf32, #tpu.memory_space<hbm>>
      %dma_wait3A_132 = tpu.memref_slice %arg8[%mul3A_128] : memref<512xf32, #tpu.memory_space<hbm>> -> memref<16xf32, #tpu.memory_space<hbm>>
      tpu.wait_dma2 semaphore(%run_scoped3A : memref<!tpu.dma_semaphore, #tpu.memory_space<semaphore_mem>>) src(%arg17 : memref<16xf32, #tpu.memory_space<vmem>>) dst(%dma_wait3A_132 : memref<16xf32, #tpu.memory_space<hbm>>)
      tpu.yield
    }) : () -> ()
    return
  }
}

module attributes {stable_mosaic.version = 14 : i64} {
  func.func @_lse_body(%arg0: memref<1000x1000xf32, #tpu.memory_space<vmem>>, %arg1: memref<1000x1xf32, #tpu.memory_space<vmem>>) attributes {dimension_semantics = [], scalar_prefetch = 0 : i64, scratch_operands = 0 : i64, tpu.core_type = #tpu.core_type<tc>} {
    %get3A = arith.constant 0 : index
    %get3A_0 = arith.constant 0 : index
    %get3A_1 = vector.load %arg0[%get3A, %get3A_0] : memref<1000x1000xf32, #tpu.memory_space<vmem>>, vector<1000x1000xf32>
    %reduce_max3A = arith.constant dense<0xFF800000> : vector<1000xf32>
    %reduce_max3A_2 = vector.multi_reduction <maximumf>, %get3A_1, %reduce_max3A [1] : vector<1000x1000xf32> to vector<1000xf32>
    %broadcast_in_dim3A = vector.shape_cast %reduce_max3A_2 : vector<1000xf32> to vector<1000x1xf32>
    %sub3A = vector.broadcast %broadcast_in_dim3A : vector<1000x1xf32> to vector<1000x1000xf32>
    %sub3A_3 = arith.subf %get3A_1, %sub3A : vector<1000x1000xf32>
    %exp3A = math.exp %sub3A_3 : vector<1000x1000xf32>
    %reduce_sum3A = arith.constant dense<0.000000e+00> : vector<1000xf32>
    %reduce_sum3A_4 = vector.multi_reduction <add>, %exp3A, %reduce_sum3A [1] : vector<1000x1000xf32> to vector<1000xf32>
    %broadcast_in_dim3A_5 = vector.shape_cast %reduce_sum3A_4 : vector<1000xf32> to vector<1000x1xf32>
    %log3A = math.log %broadcast_in_dim3A_5 : vector<1000x1xf32>
    %add3A = arith.addf %broadcast_in_dim3A, %log3A : vector<1000x1xf32>
    %swap3A = arith.constant 0 : index
    %swap3A_6 = arith.constant 0 : index
    %swap3A_7 = vector.load %arg1[%swap3A, %swap3A_6] : memref<1000x1xf32, #tpu.memory_space<vmem>>, vector<1000x1xf32>
    tpu.vector_store %arg1[%swap3A, %swap3A_6], %add3A {strides = array<i32>} : memref<1000x1xf32, #tpu.memory_space<vmem>>, vector<1000x1xf32>,
    return
  }
}

</mosaic_0001>

<sc_bundles>
// kernel: kernel.4.cloned.1.call-start
scs
__scs_entry_jumppad:
0x0: {  	(pc) =	sbr.rel $0x88, $3  }
0x1: {  	(tag) =	ssettag $0x0;
	lr =	simm.s32 $0x1  }
0x2: {  	[smem:$0x3F9E] =	sst lr;
	_ =	strace $0xD0000000  }
0x3: {  	_ = 	snop  }
0x4: {  	_ = 	snop  }
0x5: {  	_ = 	snop  }
0x6: {  	_ = 	snop  }
0x7: {  	_ = 	snop  }
__scs_overlays_trampoline_lowered:
0x8: {  	[smem:$0x3FAD] =	sst s0  }
0x9: {  	[smem:$0x3FAE] =	sst s1  }
0xa: {  	[smem:$0x3FAF] =	sst s2  }
0xb: {  	[smem:$0x3FB0] =	sst s3  }
0xc: {  	[smem:$0x3FB1] =	sst s4  }
0xd: {  	[smem:$0x3FB2] =	sst s5  }
0xe: {  	[smem:$0x3FB3] =	sst s6  }
0xf: {  	[smem:$0x3FB4] =	sst s7  }
0x10: {  	[smem:$0x3FB5] =	sst s8  }
0x11: {  	[smem:$0x3FB6] =	sst s9;
	s0 =	simm.s32 @!p0 $0x0  }
0x12: {  	s1 =	sld [smem:$0x3F9C];
	s0 =	simm.s32 @p0 $0x1  }
0x13: {  	[smem:$0x3FB7] =	sst s0;
	s0 =	simm.s32 @!p1 $0x0  }
0x14: {  	s2 =	sld [smem:$0x3F9B];
	s0 =	simm.s32 @p1 $0x1  }
0x15: {  	[smem:$0x3FB8] =	sst s0;
	s0 =	simm.s32 @!p2 $0x0  }
0x16: {  	s3 =	sld [smem:$0x3FDB];
	s0 =	simm.s32 @p2 $0x1  }
0x17: {  	s4 =	simm.s32 $0x1BF5;
	[smem:$0x3FBA] =	sst s0  }
0x18: {  	s0 =	sld [smem:$0x3F9D];
	_ =	swait.ge [sflag:s4], $0x0  }
0x19: {  	s7 =	sld [smem:$0x3F9E]  }
0x1a: {  	s8 =	sadd.s32 $0xFFFFE003, lr  }
0x1b: {  	s9 =	sadd.s32 $0xFFFFFEF7, lr;
	s5 =	simm.s32 $0xFFFFFFFF;
	p2 =	slt.u32 s8, $0xFFFFF086  }
0x1c: {  	p1 =	slt.u32 s9, $0xF7A;
	s5 =	simm.s32 @!p2 $0x0  }
0x1d: {  	s5 =	simm.s32 @p1 $0x1;
	p0 =	seq.s32 s7, s2  }
0x1e: {  	s7 =	smul.u32 @!p0 $0xF7A, s2;
	p2 =	seq.s32 @!p0 s5, $0x0  }
0x1f: {  	s9 =	smul.u32 $0xF7A, s1;
	s8 =	simm.s32 @!p0 $0x1BF5;
	p2 =	por !p2, p0  }
0x20: {  	[sflag:s8] =	ssyncset.s32 @!p0 $0xFFFFF086;
	s6 =	sadd.s32 @!p0 s3, s7;
	s7 =	simm.s32 @!p0 $0x108  }
0x21: {  	s3 =	sadd.s32 s3, s9;
	s6 =	sadd.s32 @!p0 $0x88, s6;
	s7 =	simm.s32 @p2 $0x1082  }
0x22: {  	[simem:s7], [sflag:s8] =	dma.local @!p0 [hbm:s6], $0xF7A  }
0x23: {  	s9 =	sor.u32 $0xD0000000, s2;
	s6 =	simm.s32 $0x108;
	_ =	swait.ge @!p0 [sflag:s8], $0x0  }
0x24: {  	s3 =	sadd.s32 $0x88, s3;
	s6 =	simm.s32 @!p1 $0x1082;
	[sflag:s4] =	ssyncset.s32 $0xFFFFF086  }
0x25: {  	[simem:s6], [sflag:s4] =	dma.local [hbm:s3], $0xF7A  }
0x26: {  	[smem:$0x3F9E] =	sst s1;
	(tag) =	ssettag s2;
	_ =	strace s9  }
0x27: {  	s1 =	sld [smem:$0x3FAE]  }
0x28: {  	s2 =	sld [smem:$0x3FAF]  }
0x29: {  	s4 =	sld [smem:$0x3FB1]  }
0x2a: {  	p0 =	seq.s32 s5, $0x0;
	s5 =	sld [smem:$0x3FB2]  }
0x2b: {  	s6 =	sld [smem:$0x3FB3]  }
0x2c: {  	s7 =	sld [smem:$0x3FB4]  }
0x2d: {  	s3 =	simm.s32 $0x108;
	s8 =	sld [smem:$0x3FB5]  }
0x2e: {  	s3 =	simm.s32 @!p0 $0x1082;
	s9 =	sld [smem:$0x3FB6]  }
0x2f: {  	lr =	sadd.s32 s0, s3;
	s0 =	sld [smem:$0x3FAD]  }
0x30: {  	s3 =	sld [smem:$0x3FB0]  }
0x31: {  	[smem:$0x3FB9] =	sst s10  }
0x32: {  	s10 =	sld [smem:$0x3FB7];
	_ =	sdelay $0x3  }
0x33: {  	p0 =	seq.s32 s10, $0x1;
	s10 =	sld [smem:$0x3FB9];
	_ =	sdelay $0x3  }
0x34: {  	[smem:$0x3FB9] =	sst s10  }
0x35: {  	s10 =	sld [smem:$0x3FB8];
	_ =	sdelay $0x3  }
0x36: {  	p1 =	seq.s32 s10, $0x1;
	s10 =	sld [smem:$0x3FB9];
	_ =	sdelay $0x3  }
0x37: {  	[smem:$0x3FB9] =	sst s10  }
0x38: {  	s10 =	sld [smem:$0x3FBA]  }
0x39: {  	_ = 	snop;
	(pc) =	sbr.ind lr, $3  }
0x3a: {  	_ = 	snop  }
0x3b: {  	_ = 	snop  }
0x3c: {  	p2 =	seq.s32 s10, $0x1;
	s10 =	sld [smem:$0x3FB9]  }
0x3d: {  	_ =	shalt  }
0x3e: {  	_ =	shalt  }
0x3f: {  	_ =	shalt  }
0x40: {  	_ =	shalt  }
0x41: {  	_ =	shalt  }
0x42: {  	_ =	shalt  }
0x43: {  	_ =	shalt  }
0x44: {  	_ =	shalt  }
0x45: {  	_ =	shalt  }
0x46: {  	_ =	shalt  }
0x47: {  	_ =	shalt  }
0x48: {  	_ =	shalt  }
0x49: {  	_ =	shalt  }
0x4a: {  	_ =	shalt  }
0x4b: {  	_ =	shalt  }
0x4c: {  	_ =	shalt  }
0x4d: {  	_ =	shalt  }
0x4e: {  	_ =	shalt  }
0x4f: {  	_ =	shalt  }
0x50: {  	_ =	shalt  }
0x51: {  	_ =	shalt  }
0x52: {  	_ =	shalt  }
0x53: {  	_ =	shalt  }
0x54: {  	_ =	shalt  }
0x55: {  	_ =	shalt  }
0x56: {  	_ =	shalt  }
0x57: {  	_ =	shalt  }
0x58: {  	_ =	shalt  }
0x59: {  	_ =	shalt  }
0x5a: {  	_ =	shalt  }
0x5b: {  	_ =	shalt  }
0x5c: {  	_ =	shalt  }
0x5d: {  	_ =	shalt  }
0x5e: {  	_ =	shalt  }
0x5f: {  	_ =	shalt  }
0x60: {  	_ =	shalt  }
0x61: {  	_ =	shalt  }
0x62: {  	_ =	shalt  }
0x63: {  	_ =	shalt  }
0x64: {  	_ =	shalt  }
0x65: {  	_ =	shalt  }
0x66: {  	_ =	shalt  }
0x67: {  	_ =	shalt  }
0x68: {  	_ =	shalt  }
0x69: {  	_ =	shalt  }
0x6a: {  	_ =	shalt  }
0x6b: {  	_ =	shalt  }
0x6c: {  	_ =	shalt  }
0x6d: {  	_ =	shalt  }
0x6e: {  	_ =	shalt  }
0x6f: {  	_ =	shalt  }
0x70: {  	_ =	shalt  }
0x71: {  	_ =	shalt  }
0x72: {  	_ =	shalt  }
0x73: {  	_ =	shalt  }
0x74: {  	_ =	shalt  }
0x75: {  	_ =	shalt  }
0x76: {  	_ =	shalt  }
0x77: {  	_ =	shalt  }
0x78: {  	_ =	shalt  }
0x79: {  	_ =	shalt  }
0x7a: {  	_ =	shalt  }
0x7b: {  	_ =	shalt  }
0x7c: {  	_ =	shalt  }
0x7d: {  	_ =	shalt  }
0x7e: {  	_ =	shalt  }
0x7f: {  	_ =	shalt  }
0x80: {  	_ =	shalt  }
0x81: {  	_ =	shalt  }
0x82: {  	_ =	shalt  }
0x83: {  	_ =	shalt  }
0x84: {  	_ =	shalt  }
0x85: {  	_ =	shalt  }
0x86: {  	_ =	shalt  }
0x87: {  	_ =	shalt  }
.Lfunc_end0:
.L_simem_size_0:
called_computation_lowered:
.L_overlay_start_0:
0x88: {  	s2 =	sld [smem:$0x3FD9]  }
0x89: {  	s3 =	sld [smem:$0x3FFE];
	_ =	sdelay $0x1  }
0x8a: {  	s1 =	srdreg.scid  }
0x8b: {  	s0 =	sand.u32 $0x1, s1  }
0x8c: {  	s14 =	sshll.u32 s0, $0xA;
	s2 =	sadd.s32 s3, s2  }
0x8d: {  	s2 =	sadd.s32 s2, s14  }
0x8e: {  	[smem:$0x3FC5] =	sst s2  }
0x8f: {  	_ = 	snop  }
0x90: {  	s2 =	sld [smem:$0x3FD0];
	_ =	sdelay $0x2  }
0x91: {  	s15 =	simm.s32 $0xA;
	s4 =	simm.s32 $0x10  }
0x92: {  	[smem:s4], [sflag:s15] =	dma.local [hbm:s2], $0x1  }
0x93: {  	_ =	swait.eq [sflag:s15], $0x1  }
0x94: {  	[sflag:s15] =	ssyncset.done $0x0  }
0x95: {  	[sflag:s15] =	ssyncadd.s32 $0xFFFFFFFF  }
0x96: {  	s16 =	sld [smem:$0x10];
	(tm) =	ssettm $0x1  }
0x97: {  	s17 =	sld [smem:$0x3FFB];
	_ =	sdelay $0x3  }
0x98: {  	_ =	strace s17  }
0x99: {  	s3 =	sld [smem:$0x3FFC];
	_ =	sdelay $0x3  }
0x9a: {  	_ =	strace s3  }
0x9b: {  	s3 =	sld [smem:$0x3FFD];
	_ =	sdelay $0x3  }
0x9c: {  	_ =	strace s3  }
0x9d: {  	_ =	strace $0x8FFFFFFF  }
0x9e: {  	s18 =	sld [smem:$0x3FDB];
	_ =	sdelay $0x1  }
0x9f: {  	s19 =	simm.s32 $_scs_section_size  }
0xa0: {  	s5 =	simm.s32 $_size__tile_overlayer_lowered;
	s6 =	simm.s32 $_tile_overlayer_lowered  }
0xa1: {  	s22 =	simm.s32 $0x1BFF;
	s21 =	sshll.u32 s6, $0x1;
	s3 =	sadd.s32 s19, s18  }
0xa2: {  	s7 =	simm.s32 $0x0;
	s20 =	sshll.u32 s5, $0x1;
	s5 =	sadd.s32 s21, s3  }
0xa3: {  	[timem:s7], [sflag:s22] =	dma.local [hbm:s5], s20  }
0xa4: {  	_ =	swait.ge [sflag:s22], s20  }
0xa5: {  	s4 =	ssub.s32 $0x0, s20;
	[sflag:s22] =	ssyncset.done $0x0  }
0xa6: {  	[sflag:s22] =	ssyncadd.s32 s4;
	_ =	sdelay $0x1  }
0xa7: {  	s23 =	simm.s32 $0x1B8B  }
0xa8: {  	_ =	swait.ge [sflag:s23], $0x1  }
0xa9: {  	[sflag:s23] =	ssyncset.done $0x0  }
0xaa: {  	s25 =	simm.s32 $0x1B8E;
	s24 =	sld [smem:$0x3FFE];
	[sflag:s23] =	ssyncadd.s32 $0xFFFFFFFF  }
0xab: {  	s26 =	simm.s32 $execute0_lowered;
	[smem:$0x3FD2] =	sst s25  }
0xac: {  	s5 =	sshll.u32 s26, $0x1;
	_ =	strace $0x80000046;
	[dreg:$0x1] =	wrdreg $0xFFFFFFFF  }
0xad: {  	s28 =	simm.s32 $_size_execute0_lowered;
	s3 =	sadd.s32 s3, s5;
	[dreg:$0x0] =	wrdreg $0x0  }
0xae: {  	s5 =	sshll.u32 s28, $0x1;
	[dreg:$0x2] =	wrdreg s3  }
0xaf: {  	[dreg:$0x3] =	wrdreg s5  }
0xb0: {  	[dreg:$0x4] =	wrdreg $0xC0  }
0xb1: {  	_ =	task [dreg:s7], $0x5FFFF  }
0xb2: {  	[dreg:$0x1] =	wrdreg $0xFFFFFFFF  }
0xb3: {  	[dreg:$0x0] =	wrdreg $0x60  }
0xb4: {  	[dreg:$0x2] =	wrdreg s24  }
0xb5: {  	[dreg:$0x3] =	wrdreg s16  }
0xb6: {  	[dreg:$0x4] =	wrdreg $0x9  }
0xb7: {  	_ =	task.clear_ibuf [dreg:s7], $0x5FFFF;
	_ =	strace $0x90000046  }
0xb8: {  	s29 =	simm.s32 $0x9;
	_ =	strace $0x80000048  }
0xb9: {  	_ =	swait.ge [sflag:s29], $0x1  }
0xba: {  	[sflag:s29] =	ssyncadd.s32 $0xFFFFFFFF  }
0xbb: {  	_ =	strace $0x90000048  }
0xbc: {  	_ =	sfence  }
0xbd: {  	s30 =	sld [smem:$0x0];
	_ =	sdelay $0x2  }
0xbe: {  	s31 =	sshll.u32 s1, $0xD;
	s1 =	sshrl.u32 s1, $0x2  }
0xbf: {  	s3 =	sand.u32 $0x4000, s31;
	s1 =	sadd.s32 s1, s30  }
0xc0: {  	s0 =	sor.u32 s3, s0;
	s1 =	sshll.u32 s1, $0x11  }
0xc1: {  	s0 =	sor.u32 s1, s0  }
0xc2: {  	s0 =	sadd.s32 $0x8F2B, s0  }
0xc3: {  	[sflag:s0] =	ssyncadd.remote.s32 $0x1  }
0xc4: {  	_ =	sfence.sel $0xFFFF  }
0xc5: {  	[dreg:$0x0] =	wrdreg $0xFFFFFFFF;
	(pc) =	sbr.abs _section_cstart, $3  }
0xc6: {  	[dreg:$0x1] =	wrdreg $0xFFFFFFFF  }
0xc7: {  	_ =	task.clear_ibuf [dreg:s7], $0x2FFFF;
	_ =	strace $0x9FFFFFFF  }
0xc8: {  	(tm) =	ssettm $0x7FFFFFFF  }
0xc9: {  	_ =	shalt  }
tec
execute0_lowered:
.L_overlay_start_1:
0x0: {  	(tag) =	ssettag $0x1  }
0x1: {  	s0 =	srdreg.scid;
	s4 =	rddreg [dreg:$0x0]  }
0x2: {  	s9 =	stileid.u32;
	s2 =	rddreg [dreg:$0x1];
	s3 =	simm.s32 $0x0  }
0x3: {  	s17 =	simm.s32 $0xDB80;
	s23 =	simm.s32 $0xDF80;
	s0 =	sand.u32 $0x1, s0  }
0x4: {  	s1 =	sshll.u32 s9, $0x1;
	[smem:$0x7FF] =	sst s3;
	s8 =	sadd.s32 $0x400, s4  }
0x5: {  	s24 =	sadd.s32 $0x22200, s4;
	s25 =	sadd.s32 $0x3800, s4;
	s9 =	smul.u32 $0x3200, s9  }
0x6: {  	s1 =	sor.u32 s0, s1;
	_ =	strace $0x80000047;
	[dreg:$0x4] =	wrdreg s8  }
0x7: {  	[dreg:$0x5] =	wrdreg s24;
	s28 =	ssub.s32 $0x2, s0;
	s0 =	smul.u32 $0x1900, s0  }
0x8: {  	s26 =	sadd.s32 $0x41600, s4;
	[dreg:$0x6] =	wrdreg s25;
	s5 =	smul.u32 $0x186A, s1  }
0x9: {  	[dreg:$0x7] =	wrdreg s26;
	s7 =	smul.u32 $0x640, s1;
	s1 =	sshll.u32 s1, $0x1  }
0xa: {  	s29 =	sshrl.u32 s28, $0x1;
	s1 =	sadd.s32 s1, s4;
	s0 =	sadd.s32 s0, s9  }
0xb: {  	s6 =	sadd.s32 $0x186A, s5;
	s7 =	sshrl.u32 s7, $0x3;
	s30 =	sshrl.u32 s5, $0x5  }
0xc: {  	s5 =	smulhi.u32 $0x28F5C3, s5;
	s1 =	sadd.s32 $0x41800, s1;
	s6 =	sshrl.u32 s6, $0x5  }
0xd: {  	s0 =	sshrl.u32 s0, $0x2;
	[dreg:$0x3] =	wrdreg s6;
	s6 =	sadd.s32 $0xFFFFFFFF, s6  }
0xe: {  	s7 =	sadd.s32 s7, s4;
	[dreg:$0x9] =	wrdreg s30;
	s6 =	sand.u32 $0xFFFE, s6  }
0xf: {  	s4 =	ssub.s32 s28, s29;
	[dreg:$0xc] =	wrdreg s1;
	v0 =	vmov s0;
	s6 =	sshrl.u32 s6, $0x1  }
0x10: {  	s7 =	sadd.s32 $0x1E00, s7;
	[dreg:$0xa] =	wrdreg s5;
	s6 =	smul.u32 $0x147B, s6  }
0x11: {  	s26 =	simm.s32 $0x11F80;
	s31 =	smax.u32 s4, $0x1;
	[dreg:$0x8] =	wrdreg s7  }
0x12: {  	s1 =	simm.s32 $0x5;
	[dreg:$0xd] =	wrdreg s31;
	s6 =	sshrl.u32 s6, $0x11  }
0x13: {  	s4 =	simm.s32 $0x0;
	[dreg:$0xb] =	wrdreg s6;
	p0 =	sgt.u32 s5, s6  }
.LBB2_1:
0x14: {  	[dreg:$0xe] =	wrdreg s4  }
0x15: {  	s0 =	rddreg [dreg:$0x4]  }
0x16: {  	[tilespmem:s3], [sflag:$0x5] =	stream.linear.gather [hbm4b:s0+s3], $0xC800, $0x38;
	[tilespmem:$0x14000] =	vst v63  }
0x17: {  	_ =	swait.ge [sflag:s1], $0xC800  }
0x18: {  	[sflag:s1] =	ssyncset.done $0x0  }
0x19: {  	s30 =	simm.s32 $0xC800;
	s29 =	rddreg [dreg:$0x8];
	[sflag:s1] =	ssyncadd.s32 $0xFFFF3800  }
0x1a: {  	[tilespmem:s30], [sflag:$0x5] =	stream.linear.gather [hbm4b:s29+s3], $0x640, $0x38;
	[tilespmem:$0x14000] =	vst v63  }
0x1b: {  	_ =	swait.ge [sflag:s1], $0x640  }
0x1c: {  	[sflag:s1] =	ssyncset.done $0x0  }
0x1d: {  	s31 =	rddreg [dreg:$0x7];
	[sflag:s1] =	ssyncadd.s32 $0xFFFFF9C0  }
0x1e: {  	[tilespmem:s17], [sflag:$0x5] =	stream.linear.gather [hbm4b:s31+s3], $0x400, $0x38;
	[tilespmem:$0x14000] =	vst v63  }
0x1f: {  	_ =	swait.ge [sflag:s1], $0x400  }
0x20: {  	[sflag:s1] =	ssyncset.done $0x0  }
0x21: {  	s0 =	simm.s32 $0x0;
	[sflag:s1] =	ssyncadd.s32 $0xFFFFFC00;
	s1 =	simm.s32 $0x40  }
.LBB2_2:
0x22: {  	p1 =	sne.s32 s1, $0x18C0;
	v1 =	vld.idx.msk [tilespmem:v0+s0+$0x0 ss:$0x1], $0xffff;
	_ =	sdelay $0x2  }
0x23: {  	v2 =	vld [tilespmem:s0+$0xC800];
	_ =	sdelay $0x1  }
.Ltmp0:
0x24: {  	(pc) =	sbr.rel @p1 .LBB2_2-.Ltmp0, $3  }
0x25: {  	v1 =	vmul.u32 $0x3E8, v1;
	_ =	sdelay $0x1  }
0x26: {  	v1 =	vadd.s32 v2, v1  }
0x27: {  	[tilespmem:s0+$0xCE80] =	vst v1;
	s0 =	sshra.s32 s1, $0x2;
	s1 =	sadd.s32 $0x40, s1  }
0x28: {  	_ =	sdelay $0x3  }
0x29: {  	v1 =	vld.idx.msk [tilespmem:v0+s0+$0x0 ss:$0x1], $0xffff;
	_ =	sdelay $0x1  }
0x2a: {  	v2 =	vld [tilespmem:s0+$0xC800];
	_ =	sdelay $0x2  }
.Ltmp1:
0x2b: {  	v1 =	vmul.u32 $0x3E8, v1;
	(pc) =	sbr.rel @!p0 .LBB2_4-.Ltmp1, $4  }
0x2c: {  	_ = 	snop  }
0x2d: {  	s31 =	rddreg [dreg:$0x6];
	s1 =	simm.s32 $0x640;
	v1 =	vadd.s32 v2, v1  }
0x2e: {  	s4 =	simm.s32 $0xCE80;
	s5 =	simm.s32 $0xD500;
	s30 =	rddreg [dreg:$0xa];
	[tilespmem:s0+$0xCE80] =	vst v1  }
0x2f: {  	[tilespmem:s5], [sflag:$0x1] =	stream.indirect.gather [hbm4b:s31+s1], $0x1, s4, s1, $0xb8;
	[tilespmem:$0x14000] =	vst v63  }
.LBB2_19:
0x30: {  	s0 =	simm.s32 $0x1  }
0x31: {  	_ =	swait.ge [sflag:s0], $0x640  }
0x32: {  	[sflag:s0] =	ssyncset.done $0x0  }
0x33: {  	s31 =	simm.s32 $0x0;
	[sflag:s0] =	ssyncadd.s32 $0xFFFFF9C0  }
0x34: {  	v3 =	vld.idx.msk [tilespmem:v0+s31+$0x0 ss:$0x1], $0xffff;
	_ =	sdelay $0x6  }
0x35: {  	v2 =	vld [tilespmem:s31+$0xD500]  }
0x36: {  	v1 =	vimm.f32 $0.0e+00;
	s1 =	simm.s32 $0x80;
	s4 =	rddreg [dreg:$0xe];
	s0 =	simm.s32 $0x10;
	v3 =	vld.idx.msk [tilespmem:v3+s17+$0x0], $0xffff  }
.LBB2_20:
0x37: {  	p1 =	sne.s32 s1, $0x18C0;
	v4 =	vld.idx.msk [tilespmem:v0+s0+$0x0 ss:$0x1], $0xffff;
	_ =	sdelay $0x3  }
.Ltmp2:
0x38: {  	(pc) =	sbr.rel @p1 .LBB2_20-.Ltmp2, $3  }
0x39: {  	v3 =	vsub.f32 v3, v2;
	_ =	sdelay $0x1  }
0x3a: {  	v1 =	vadd.f32 v3, v1;
	v2 =	vld [tilespmem:s0+$0xD500]  }
0x3b: {  	s0 =	sshra.s32 s1, $0x2;
	s1 =	sadd.s32 $0x40, s1;
	v3 =	vld.idx.msk [tilespmem:v4+s17+$0x0], $0xffff  }
0x3c: {  	_ =	sdelay $0x3  }
0x3d: {  	v4 =	vld.idx.msk [tilespmem:v0+s0+$0x0 ss:$0x1], $0xffff;
	_ =	sdelay $0x6  }
0x3e: {  	v5 =	vld [tilespmem:s0+$0xD500]  }
0x3f: {  	v4 =	vld.idx.msk [tilespmem:v4+s17+$0x0], $0xffff;
	_ =	sdelay $0x2  }
0x40: {  	v2 =	vsub.f32 v3, v2;
	_ =	sdelay $0x1  }
0x41: {  	v1 =	vadd.f32 v2, v1;
	v2 =	vsub.f32 v4, v5;
	_ =	sdelay $0x1  }
0x42: {  	v1 =	vadd.f32 v2, v1;
	_ =	sdelay $0x1  }
0x43: {  	s30 =	rddreg [dreg:$0xc];
	s1 =	simm.s32 $0x13F80;
	[tilespmem:$0x13F80] =	vst v1  }
0x44: {  	[hbm4b:s30+s3] =	stream.linear.scatter [tilespmem:s1], [sflag:$0x5], $0x10, $0x38;
	[tilespmem:$0x14000] =	vst v63  }
0x45: {  	s1 =	simm.s32 $0x5  }
0x46: {  	_ =	swait.ge [sflag:s1], $0x10  }
0x47: {  	s4 =	sadd.s32 $0x1, s4;
	s31 =	rddreg [dreg:$0xd]  }
0x48: {  	p1 =	sne.s32 s4, s31  }
.Ltmp3:
0x49: {  	_ = 	snop;
	(pc) =	sbr.rel @p1 .LBB2_1-.Ltmp3, $4  }
.Ltmp4:
0x4a: {  	_ = 	snop;
	(pc) =	sbr.rel @!p1 .LBB2_22-.Ltmp4, $4  }
0x4b: {  	_ = 	snop  }
0x4c: {  	[sflag:s1] =	ssyncset.done $0x0  }
0x4d: {  	[sflag:s1] =	ssyncadd.s32 $0xFFFFFFF0  }
0x4e: {  	_ = 	snop  }
.LBB2_15:
0x4f: {  	s0 =	simm.s32 $0x3  }
0x50: {  	_ =	swait.ge [sflag:s0], $0x2000  }
0x51: {  	[sflag:s0] =	ssyncset.done $0x0  }
0x52: {  	[sflag:s0] =	ssyncadd.s32 $0xFFFFE000;
	s0 =	simm.s32 $0x4  }
.LBB2_17:
0x53: {  	_ =	swait.ge [sflag:s0], $0x2000  }
0x54: {  	[sflag:s0] =	ssyncset.done $0x0  }
0x55: {  	[sflag:s0] =	ssyncadd.s32 $0xFFFFE000  }
.LBB2_18:
0x56: {  	s1 =	rddreg [dreg:$0xb]  }
0x57: {  	p1 =	slt.u32 s30, s1  }
.Ltmp5:
0x58: {  	_ = 	snop;
	(pc) =	sbr.rel @!p1 .LBB2_19-.Ltmp5, $3  }
0x59: {  	_ =	sdelay $0x1  }
0x5a: {  	s0 =	sadd.s32 $0x1, s30  }
0x5b: {  	s30 =	smov.u32 s0  }
.LBB2_4:
0x5c: {  	s1 =	rddreg [dreg:$0x5]  }
0x5d: {  	s31 =	sshll.u32 s30, $0x6;
	s0 =	sshll.u32 s30, $0xA;
	s28 =	rddreg [dreg:$0x9]  }
0x5e: {  	s4 =	smul.u32 $0x32, s30;
	s5 =	rddreg [dreg:$0x3];
	s29 =	simm.s32 $0x2  }
.Ltmp6:
0x5f: {  	s0 =	sadd.s32 s1, s0;
	s1 =	simm.s32 $0x0;
	(pc) =	sbr.rel .LBB2_5-.Ltmp6, $4  }
0x60: {  	[tilespmem:s23], [sflag:$0x2] =	stream.linear.gather [hbm4b:s0+s1], $0x2000, $0x38;
	[tilespmem:$0x14000] =	vst v63  }
0x61: {  	s0 =	ssub.s32 s28, s4;
	s16 =	ssub.s32 s5, s4;
	_ =	swait.ge [sflag:s29], $0x2000  }
0x62: {  	p1 =	sgt.s32 s0, $0x0;
	p2 =	slt.s32 s16, $0x32;
	[sflag:s29] =	ssyncset.done $0x0  }
0x63: {  	s0 =	simm.s32 @!p1 $0x0;
	s16 =	simm.s32 @!p2 $0x32;
	[sflag:s29] =	ssyncadd.s32 $0xFFFFE000  }
.LBB2_12:
0x64: {  	_ =	sdelay $0x3  }
0x65: {  	v15 =	vld.idx.msk [tilespmem:v15+s23+$0x0], $0xffff;
	_ =	sdelay $0x1  }
0x66: {  	[tilespmem:s8+$0x180] =	vst v20  }
0x67: {  	[tilespmem:s11+$0x180] =	vst v21;
	v20 =	vld.idx.msk [tilespmem:v23+s23+$0x0], $0xffff  }
0x68: {  	[tilespmem:s13+$0x180] =	vst v22;
	v59 =	vadd.s32 $0x1400, v1;
	v12 =	vld.idx.msk [tilespmem:v12+s23+$0x0], $0xffff  }
0x69: {  	v11 =	vld.idx.msk [tilespmem:v11+s23+$0x0], $0xffff;
	[tilespmem:s14+$0x180] =	vst v15  }
0x6a: {  	v13 =	vld.idx.msk [tilespmem:v13+s23+$0x0], $0xffff;
	_ =	sdelay $0x1  }
0x6b: {  	[tilespmem:s8+$0x200] =	vst v20  }
0x6c: {  	[tilespmem:s11+$0x200] =	vst v12;
	v60 =	vld.idx.msk [tilespmem:v59+s23+$0x0], $0xffff  }
0x6d: {  	v61 =	vadd.s32 $0x1800, v1;
	[tilespmem:s13+$0x200] =	vst v11;
	v8 =	vld.idx.msk [tilespmem:v8+s23+$0x0], $0xffff  }
0x6e: {  	v10 =	vld.idx.msk [tilespmem:v10+s23+$0x0], $0xffff;
	[tilespmem:s14+$0x200] =	vst v13  }
0x6f: {  	v9 =	vld.idx.msk [tilespmem:v9+s23+$0x0], $0xffff  }
0x70: {  	[tilespmem:s19+$0x300] =	vst v19  }
0x71: {  	[tilespmem:s8+$0x280] =	vst v60  }
0x72: {  	[tilespmem:s11+$0x280] =	vst v8;
	v62 =	vld.idx.msk [tilespmem:v61+s23+$0x0], $0xffff  }
0x73: {  	v1 =	vadd.s32 $0x1C00, v1;
	[tilespmem:s13+$0x280] =	vst v10;
	v5 =	vld.idx.msk [tilespmem:v5+s23+$0x0], $0xffff  }
0x74: {  	v6 =	vld.idx.msk [tilespmem:v6+s23+$0x0], $0xffff;
	[tilespmem:s14+$0x280] =	vst v9  }
0x75: {  	[tilespmem:s20+$0x300] =	vst v17;
	v7 =	vld.idx.msk [tilespmem:v7+s23+$0x0], $0xffff  }
0x76: {  	[tilespmem:s7+$0x380] =	vst v18;
	v2 =	vld.idx.msk [tilespmem:v2+s23+$0x0], $0xffff  }
0x77: {  	v3 =	vld.idx.msk [tilespmem:v3+s23+$0x0], $0xffff;
	[tilespmem:s8+$0x300] =	vst v62  }
0x78: {  	[tilespmem:s11+$0x300] =	vst v5;
	v1 =	vld.idx.msk [tilespmem:v1+s23+$0x0], $0xffff  }
0x79: {  	[tilespmem:s13+$0x300] =	vst v6;
	v4 =	vld.idx.msk [tilespmem:v4+s23+$0x0], $0xffff  }
0x7a: {  	v63 =	vld.idx.msk [tilespmem:v16+s23+$0x0], $0xffff;
	[tilespmem:s14+$0x300] =	vst v7  }
0x7b: {  	[tilespmem:s19+$0x380] =	vst v2;
	v2 =	vld.idx.msk [tilespmem:v14+s23+$0x0], $0xffff  }
0x7c: {  	s4 =	smul.u32 $0x1F40, s18;
	[tilespmem:s20+$0x380] =	vst v3  }
0x7d: {  	[tilespmem:s8+$0x380] =	vst v1  }
0x7e: {  	s4 =	sadd.s32 s31, s4;
	[tilespmem:s11+$0x380] =	vst v4  }
0x7f: {  	s4 =	sshll.u32 s4, $0x4;
	[tilespmem:s13+$0x380] =	vst v63  }
0x80: {  	s4 =	sadd.s32 s2, s4;
	[tilespmem:s14+$0x380] =	vst v2  }
0x81: {  	[hbm4b:s4+s3] =	stream.linear.scatter [tilespmem:s26], [sflag:$0x4], $0x2000, $0x38;
	[tilespmem:$0x14000] =	vst v63  }
.LBB2_13:
0x82: {  	s1 =	sadd.s32 $0x1, s1  }
0x83: {  	p1 =	sne.s32 s1, $0x19  }
.Ltmp7:
0x84: {  	_ = 	snop;
	(pc) =	sbr.rel @!p1 .LBB2_14-.Ltmp7, $1  }
0x85: {  	_ =	sdelay $0x3  }
.LBB2_5:
0x86: {  	s18 =	sshll.u32 s1, $0x1  }
0x87: {  	s19 =	sadd.s32 s0, s18  }
0x88: {  	p2 =	sge.s32 s19, s16  }
.Ltmp8:
0x89: {  	_ = 	snop;
	(pc) =	sbr.rel @p2 .LBB2_9-.Ltmp8, $2  }
0x8a: {  	_ =	sdelay $0x2  }
0x8b: {  	p1 =	seq.s32 s1, $0x0  }
0x8c: {  	s4 =	simm.s32 @!p1 $0x3  }
0x8d: {  	s5 =	sshll.u32 s19, $0xC;
	s6 =	simm.s32 $0x0;
	_ =	swait.ge @!p1 [sflag:s4], $0x2000  }
0x8e: {  	s5 =	sshra.s32 s5, $0x2;
	s7 =	sand.u32 $0x380, s6;
	s8 =	sand.u32 $0x40, s6  }
0x8f: {  	[sflag:s4] =	ssyncset.done @!p1 $0x0;
	s7 =	sadd.s32 s7, s5;
	s9 =	sor.u32 $0x30, s8  }
0x90: {  	[sflag:s4] =	ssyncadd.s32 @!p1 $0xFFFFE000;
	s29 =	sadd.s32 s9, s7  }
0x91: {  	s10 =	sor.u32 $0x10, s8;
	s11 =	sadd.s32 s8, s7;
	v5 =	vld [tilespmem:s29+$0x0]  }
0x92: {  	s14 =	sor.u32 $0x20, s8;
	s13 =	sadd.s32 s10, s7;
	v4 =	vld [tilespmem:s11+$0x0]  }
0x93: {  	s7 =	sadd.s32 s14, s7;
	v2 =	vld [tilespmem:s13+$0x0]  }
0x94: {  	v3 =	vld [tilespmem:s7+$0x0];
	_ =	sdelay $0x4  }
0x95: {  	v1 =	vld.idx.msk [tilespmem:v5+s23+$0x0], $0xffff  }
0x96: {  	s6 =	sand.u32 $0x7000, s6;
	v6 =	vadd.s32 $0x400, v5;
	v7 =	vld.idx.msk [tilespmem:v4+s23+$0x0], $0xffff  }
0x97: {  	s6 =	sshrl.u32 s6, $0x2;
	v8 =	vadd.s32 $0x400, v4;
	v9 =	vld.idx.msk [tilespmem:v2+s23+$0x0], $0xffff  }
0x98: {  	s6 =	sadd.s32 $0xFF80, s6;
	v10 =	vadd.s32 $0x400, v2;
	v11 =	vld.idx.msk [tilespmem:v3+s23+$0x0], $0xffff  }
0x99: {  	s15 =	sor.u32 s9, s6;
	v12 =	vadd.s32 $0x400, v3  }
0x9a: {  	s7 =	sor.u32 s8, s6;
	[tilespmem:s15+$0x0] =	vst v1  }
0x9b: {  	s20 =	sor.u32 s10, s6;
	[tilespmem:s7+$0x0] =	vst v7;
	v1 =	vld.idx.msk [tilespmem:v6+s23+$0x0], $0xffff  }
0x9c: {  	s22 =	sor.u32 s14, s6;
	[tilespmem:s20+$0x0] =	vst v9;
	v6 =	vadd.s32 $0x800, v5;
	v7 =	vld.idx.msk [tilespmem:v8+s23+$0x0], $0xffff  }
0x9d: {  	[tilespmem:s22+$0x0] =	vst v11;
	v8 =	vadd.s32 $0x800, v4;
	v9 =	vld.idx.msk [tilespmem:v10+s23+$0x0], $0xffff  }
0x9e: {  	v10 =	vadd.s32 $0x800, v2;
	v11 =	vld.idx.msk [tilespmem:v12+s23+$0x0], $0xffff  }
0x9f: {  	v12 =	vadd.s32 $0x800, v3  }
0xa0: {  	[tilespmem:s15+$0x80] =	vst v1  }
0xa1: {  	[tilespmem:s7+$0x80] =	vst v7;
	v1 =	vld.idx.msk [tilespmem:v6+s23+$0x0], $0xffff  }
0xa2: {  	s11 =	simm.s32 $0x40;
	[tilespmem:s20+$0x80] =	vst v9;
	v6 =	vadd.s32 $0xC00, v5;
	v7 =	vld.idx.msk [tilespmem:v8+s23+$0x0], $0xffff  }
0xa3: {  	s12 =	sand.u32 $0x380, s11;
	s4 =	sand.u32 $0x40, s11;
	[tilespmem:s22+$0x80] =	vst v11;
	v8 =	vadd.s32 $0xC00, v4;
	v9 =	vld.idx.msk [tilespmem:v10+s23+$0x0], $0xffff  }
0xa4: {  	s6 =	sadd.s32 s12, s5;
	s13 =	sor.u32 $0x30, s4;
	v10 =	vadd.s32 $0xC00, v2;
	v11 =	vld.idx.msk [tilespmem:v12+s23+$0x0], $0xffff  }
0xa5: {  	s14 =	sadd.s32 s13, s6;
	v12 =	vadd.s32 $0xC00, v3  }
0xa6: {  	[tilespmem:s15+$0x100] =	vst v1;
	v1 =	vld [tilespmem:s14+$0x0]  }
0xa7: {  	[tilespmem:s7+$0x100] =	vst v7;
	v6 =	vld.idx.msk [tilespmem:v6+s23+$0x0], $0xffff  }
0xa8: {  	v7 =	vadd.s32 $0x1000, v5;
	[tilespmem:s20+$0x100] =	vst v9;
	v8 =	vld.idx.msk [tilespmem:v8+s23+$0x0], $0xffff  }
0xa9: {  	[tilespmem:s22+$0x100] =	vst v11;
	v9 =	vld.idx.msk [tilespmem:v10+s23+$0x0], $0xffff  }
0xaa: {  	s21 =	sor.u32 $0x10, s4;
	s28 =	sor.u32 $0x20, s4;
	s24 =	sadd.s32 s4, s6;
	v11 =	vadd.s32 $0x1000, v4;
	v10 =	vld.idx.msk [tilespmem:v12+s23+$0x0], $0xffff  }
0xab: {  	s25 =	sadd.s32 s21, s6;
	s6 =	sadd.s32 s28, s6;
	v14 =	vld [tilespmem:s24+$0x0];
	v12 =	vadd.s32 $0x1000, v3  }
0xac: {  	v22 =	vld [tilespmem:s6+$0x0];
	[tilespmem:s15+$0x180] =	vst v6  }
0xad: {  	v6 =	vadd.s32 $0x1000, v2;
	v7 =	vld.idx.msk [tilespmem:v7+s23+$0x0], $0xffff  }
0xae: {  	v16 =	vld [tilespmem:s25+$0x0];
	v13 =	vadd.s32 $0x1400, v5;
	[tilespmem:s7+$0x180] =	vst v8  }
0xaf: {  	[tilespmem:s22+$0x180] =	vst v10;
	v8 =	vld.idx.msk [tilespmem:v11+s23+$0x0], $0xffff  }
0xb0: {  	[tilespmem:s20+$0x180] =	vst v9;
	v9 =	vld.idx.msk [tilespmem:v12+s23+$0x0], $0xffff  }
0xb1: {  	s9 =	simm.s32 $0x800;
	v12 =	vld.idx.msk [tilespmem:v1+s23+$0x0], $0xffff  }
0xb2: {  	s29 =	sand.u32 $0x7000, s9;
	v6 =	vld.idx.msk [tilespmem:v6+s23+$0x0], $0xffff;
	[tilespmem:s15+$0x200] =	vst v7;
	v7 =	vadd.s32 $0x1400, v4  }
0xb3: {  	s6 =	sshrl.u32 s29, $0x2;
	v11 =	vadd.s32 $0x1400, v2;
	v10 =	vld.idx.msk [tilespmem:v13+s23+$0x0], $0xffff  }
0xb4: {  	s6 =	sadd.s32 $0xFF80, s6;
	v18 =	vadd.s32 $0x400, v1;
	[tilespmem:s7+$0x200] =	vst v8;
	v13 =	vld.idx.msk [tilespmem:v14+s23+$0x0], $0xffff  }
0xb5: {  	v15 =	vadd.s32 $0x1800, v5;
	s8 =	sor.u32 s13, s6;
	v19 =	vld.idx.msk [tilespmem:v22+s23+$0x0], $0xffff;
	[tilespmem:s22+$0x200] =	vst v9  }
0xb6: {  	v17 =	vld.idx.msk [tilespmem:v16+s23+$0x0], $0xffff;
	v9 =	vadd.s32 $0x400, v22;
	[tilespmem:s8+$0x0] =	vst v12  }
0xb7: {  	v8 =	vadd.s32 $0x400, v14;
	[tilespmem:s20+$0x200] =	vst v6;
	v7 =	vld.idx.msk [tilespmem:v7+s23+$0x0], $0xffff  }
0xb8: {  	s11 =	sor.u32 s4, s6;
	v6 =	vadd.s32 $0x400, v16;
	v11 =	vld.idx.msk [tilespmem:v11+s23+$0x0], $0xffff;
	[tilespmem:s15+$0x280] =	vst v10  }
0xb9: {  	s14 =	sor.u32 s28, s6;
	v10 =	vadd.s32 $0x1400, v3;
	[tilespmem:s11+$0x0] =	vst v13;
	v13 =	vld.idx.msk [tilespmem:v18+s23+$0x0], $0xffff  }
0xba: {  	s13 =	sor.u32 s21, s6;
	[tilespmem:s14+$0x0] =	vst v19;
	v12 =	vld.idx.msk [tilespmem:v15+s23+$0x0], $0xffff;
	v15 =	vadd.s32 $0x1800, v4  }
0xbb: {  	[tilespmem:s13+$0x0] =	vst v17;
	v17 =	vadd.s32 $0x800, v1;
	v9 =	vld.idx.msk [tilespmem:v9+s23+$0x0], $0xffff  }
0xbc: {  	v5 =	vadd.s32 $0x1C00, v5;
	v8 =	vld.idx.msk [tilespmem:v8+s23+$0x0], $0xffff  }
0xbd: {  	v18 =	vadd.s32 $0x800, v14;
	v6 =	vld.idx.msk [tilespmem:v6+s23+$0x0], $0xffff;
	[tilespmem:s7+$0x280] =	vst v7  }
0xbe: {  	v7 =	vadd.s32 $0x800, v16;
	[tilespmem:s20+$0x280] =	vst v11;
	v10 =	vld.idx.msk [tilespmem:v10+s23+$0x0], $0xffff  }
0xbf: {  	v11 =	vadd.s32 $0x800, v22;
	[tilespmem:s8+$0x80] =	vst v13;
	v15 =	vld.idx.msk [tilespmem:v15+s23+$0x0], $0xffff  }
0xc0: {  	[tilespmem:s15+$0x300] =	vst v12;
	v12 =	vadd.s32 $0x1800, v2;
	v20 =	vld.idx.msk [tilespmem:v17+s23+$0x0], $0xffff  }
0xc1: {  	v13 =	vadd.s32 $0x1800, v3;
	[tilespmem:s11+$0x80] =	vst v8;
	v5 =	vld.idx.msk [tilespmem:v5+s23+$0x0], $0xffff  }
0xc2: {  	v4 =	vadd.s32 $0x1C00, v4;
	v21 =	vld.idx.msk [tilespmem:v18+s23+$0x0], $0xffff;
	[tilespmem:s13+$0x80] =	vst v6  }
0xc3: {  	[tilespmem:s14+$0x80] =	vst v9;
	v6 =	vadd.s32 $0xC00, v1;
	v23 =	vld.idx.msk [tilespmem:v7+s23+$0x0], $0xffff  }
0xc4: {  	v24 =	vadd.s32 $0xC00, v14;
	v25 =	vld.idx.msk [tilespmem:v11+s23+$0x0], $0xffff;
	[tilespmem:s22+$0x280] =	vst v10  }
0xc5: {  	v26 =	vadd.s32 $0xC00, v16;
	v9 =	vadd.s32 $0x1400, v22;
	[tilespmem:s7+$0x300] =	vst v15;
	v19 =	vld.idx.msk [tilespmem:v12+s23+$0x0], $0xffff  }
0xc6: {  	v3 =	vadd.s32 $0x1C00, v3;
	v2 =	vadd.s32 $0x1C00, v2;
	v15 =	vadd.s32 $0xC00, v22;
	v17 =	vld.idx.msk [tilespmem:v13+s23+$0x0], $0xffff;
	[tilespmem:s8+$0x100] =	vst v20  }
0xc7: {  	v8 =	vadd.s32 $0x1400, v14;
	v11 =	vadd.s32 $0x1000, v16;
	v7 =	vadd.s32 $0x1800, v22;
	[tilespmem:s15+$0x380] =	vst v5;
	v18 =	vld.idx.msk [tilespmem:v4+s23+$0x0], $0xffff  }
0xc8: {  	v10 =	vadd.s32 $0x1400, v16;
	v12 =	vadd.s32 $0x1000, v14;
	v13 =	vadd.s32 $0x1000, v22;
	[tilespmem:s11+$0x100] =	vst v21;
	v20 =	vld.idx.msk [tilespmem:v6+s23+$0x0], $0xffff  }
0xc9: {  	v5 =	vadd.s32 $0x1800, v14;
	v4 =	vadd.s32 $0x1C00, v14;
	v14 =	vadd.s32 $0x1C00, v22;
	v21 =	vld.idx.msk [tilespmem:v24+s23+$0x0], $0xffff;
	[tilespmem:s13+$0x100] =	vst v23  }
0xca: {  	s21 =	simm.s32 $0x4;
	s15 =	simm.s32 $0x80;
	v6 =	vadd.s32 $0x1800, v16;
	v16 =	vadd.s32 $0x1C00, v16;
	[tilespmem:s14+$0x100] =	vst v25;
	v23 =	vadd.s32 $0x1000, v1;
	v22 =	vld.idx.msk [tilespmem:v26+s23+$0x0], $0xffff  }
.LBB2_7:
0xcb: {  	s4 =	sand.u32 $0x380, s15;
	s29 =	sand.u32 $0x40, s15;
	v15 =	vld.idx.msk [tilespmem:v15+s23+$0x0], $0xffff;
	[tilespmem:s20+$0x300] =	vst v19  }
0xcc: {  	s21 =	sadd.s32 $0x4, s21;
	s10 =	sadd.s32 s4, s5;
	s28 =	sor.u32 $0x30, s29;
	v19 =	vld.idx.msk [tilespmem:v2+s23+$0x0], $0xffff;
	[tilespmem:s22+$0x300] =	vst v17;
	v2 =	vmov v16  }
0xcd: {  	s4 =	sor.u32 $0x10, s29;
	p2 =	slt.u32 s21, $0x3C;
	s12 =	sadd.s32 s28, s10;
	[tilespmem:s7+$0x380] =	vst v18;
	v16 =	vld.idx.msk [tilespmem:v3+s23+$0x0], $0xffff;
	v3 =	vmov v14  }
0xce: {  	s6 =	sor.u32 $0x20, s29;
	s24 =	sadd.s32 s29, s10;
	s25 =	sadd.s32 s4, s10;
	v17 =	vld [tilespmem:s12+$0x0];
	[tilespmem:s8+$0x180] =	vst v20  }
0xcf: {  	s10 =	sadd.s32 s6, s10;
	s7 =	smov.u32 s11;
	[tilespmem:s11+$0x180] =	vst v21;
	v14 =	vld.idx.msk [tilespmem:v23+s23+$0x0], $0xffff  }
0xd0: {  	v18 =	vld [tilespmem:s24+$0x0];
	[tilespmem:s13+$0x180] =	vst v22  }
0xd1: {  	v20 =	vld [tilespmem:s25+$0x0];
	[tilespmem:s14+$0x180] =	vst v15;
	v15 =	vadd.s32 $0x1400, v1  }
0xd2: {  	v21 =	vld [tilespmem:s10+$0x0];
	[tilespmem:s20+$0x380] =	vst v19;
	s20 =	smov.u32 s13  }
0xd3: {  	v19 =	vld.idx.msk [tilespmem:v12+s23+$0x0], $0xffff;
	[tilespmem:s22+$0x380] =	vst v16;
	s22 =	smov.u32 s14  }
0xd4: {  	v16 =	vld.idx.msk [tilespmem:v11+s23+$0x0], $0xffff  }
0xd5: {  	v22 =	vadd.s32 $0x400, v18;
	v23 =	vadd.s32 $0x800, v18;
	v24 =	vadd.s32 $0xC00, v18;
	v25 =	vld.idx.msk [tilespmem:v13+s23+$0x0], $0xffff;
	[tilespmem:s8+$0x200] =	vst v14  }
0xd6: {  	v26 =	vadd.s32 $0x400, v20;
	v27 =	vadd.s32 $0x800, v20;
	v28 =	vadd.s32 $0xC00, v20;
	v29 =	vld.idx.msk [tilespmem:v15+s23+$0x0], $0xffff  }
0xd7: {  	v30 =	vadd.s32 $0x400, v21;
	v31 =	vadd.s32 $0x800, v21;
	v15 =	vadd.s32 $0xC00, v21;
	v32 =	vld.idx.msk [tilespmem:v17+s23+$0x0], $0xffff  }
0xd8: {  	v34 =	vadd.s32 $0x1800, v1;
	s9 =	sadd.s32 $0x800, s9;
	v12 =	vadd.s32 $0x1000, v18;
	v11 =	vadd.s32 $0x1000, v20;
	v33 =	vld.idx.msk [tilespmem:v18+s23+$0x0], $0xffff  }
0xd9: {  	s10 =	sand.u32 $0x7000, s9;
	v36 =	vadd.s32 $0x400, v17;
	v14 =	vadd.s32 $0x1400, v18;
	v13 =	vadd.s32 $0x1000, v21;
	v35 =	vld.idx.msk [tilespmem:v20+s23+$0x0], $0xffff;
	[tilespmem:s7+$0x200] =	vst v19  }
0xda: {  	s10 =	sshrl.u32 s10, $0x2;
	v37 =	vadd.s32 $0x1400, v20;
	v39 =	vadd.s32 $0x1400, v21;
	v19 =	vadd.s32 $0x1800, v18;
	v38 =	vld.idx.msk [tilespmem:v21+s23+$0x0], $0xffff;
	[tilespmem:s20+$0x200] =	vst v16  }
0xdb: {  	s10 =	sadd.s32 $0xFF80, s10;
	v40 =	vadd.s32 $0x1C00, v18;
	v41 =	vadd.s32 $0x1800, v21;
	v18 =	vadd.s32 $0x1800, v20;
	v42 =	vld.idx.msk [tilespmem:v8+s23+$0x0], $0xffff;
	[tilespmem:s22+$0x200] =	vst v25;
	v8 =	vmovc v14  }
0xdc: {  	s11 =	sor.u32 s29, s10;
	s13 =	sor.u32 s4, s10;
	s4 =	sor.u32 s28, s10;
	v16 =	vadd.s32 $0x1C00, v20;
	v14 =	vadd.s32 $0x1C00, v21;
	v20 =	vld.idx.msk [tilespmem:v10+s23+$0x0], $0xffff;
	[tilespmem:s8+$0x280] =	vst v29;
	v10 =	vmov v37  }
0xdd: {  	s14 =	sor.u32 s6, s10;
	[tilespmem:s4+$0x0] =	vst v32;
	v21 =	vld.idx.msk [tilespmem:v34+s23+$0x0], $0xffff  }
0xde: {  	[tilespmem:s11+$0x0] =	vst v33;
	v25 =	vld.idx.msk [tilespmem:v36+s23+$0x0], $0xffff  }
0xdf: {  	v29 =	vadd.s32 $0x1C00, v1;
	v1 =	vmov v17;
	v22 =	vld.idx.msk [tilespmem:v22+s23+$0x0], $0xffff;
	[tilespmem:s13+$0x0] =	vst v35  }
0xe0: {  	v17 =	vld.idx.msk [tilespmem:v26+s23+$0x0], $0xffff;
	[tilespmem:s14+$0x0] =	vst v38;
	v26 =	vadd.s32 $0x800, v1  }
0xe1: {  	v30 =	vld.idx.msk [tilespmem:v30+s23+$0x0], $0xffff;
	[tilespmem:s7+$0x280] =	vst v42  }
0xe2: {  	[tilespmem:s20+$0x280] =	vst v20;
	v20 =	vld.idx.msk [tilespmem:v9+s23+$0x0], $0xffff;
	v9 =	vmov v39  }
0xe3: {  	v32 =	vld.idx.msk [tilespmem:v5+s23+$0x0], $0xffff;
	[tilespmem:s8+$0x300] =	vst v21;
	v5 =	vmov v19  }
0xe4: {  	[tilespmem:s4+$0x80] =	vst v25;
	v21 =	vld.idx.msk [tilespmem:v29+s23+$0x0], $0xffff  }
0xe5: {  	[tilespmem:s11+$0x80] =	vst v22;
	v22 =	vld.idx.msk [tilespmem:v26+s23+$0x0], $0xffff  }
0xe6: {  	v23 =	vld.idx.msk [tilespmem:v23+s23+$0x0], $0xffff;
	[tilespmem:s13+$0x80] =	vst v17  }
0xe7: {  	v26 =	vadd.s32 $0xC00, v1;
	v25 =	vld.idx.msk [tilespmem:v27+s23+$0x0], $0xffff;
	[tilespmem:s14+$0x80] =	vst v30  }
0xe8: {  	v27 =	vld.idx.msk [tilespmem:v31+s23+$0x0], $0xffff;
	[tilespmem:s22+$0x280] =	vst v20  }
0xe9: {  	[tilespmem:s7+$0x300] =	vst v32;
	v19 =	vld.idx.msk [tilespmem:v6+s23+$0x0], $0xffff;
	v6 =	vmov v18  }
.Ltmp9:
0xea: {  	v17 =	vld.idx.msk [tilespmem:v7+s23+$0x0], $0xffff;
	[tilespmem:s8+$0x380] =	vst v21;
	v7 =	vmov v41;
	s8 =	smov.u32 s4;
	(pc) =	sbr.rel @p2 .LBB2_7-.Ltmp9, $4  }
0xeb: {  	[tilespmem:s8+$0x100] =	vst v22;
	v18 =	vld.idx.msk [tilespmem:v4+s23+$0x0], $0xffff;
	v4 =	vmov v40  }
0xec: {  	[tilespmem:s11+$0x100] =	vst v23;
	v20 =	vld.idx.msk [tilespmem:v26+s23+$0x0], $0xffff  }
0xed: {  	v21 =	vld.idx.msk [tilespmem:v24+s23+$0x0], $0xffff;
	[tilespmem:s13+$0x100] =	vst v25  }
0xee: {  	s15 =	sadd.s32 $0x40, s15;
	v23 =	vadd.s32 $0x1000, v1;
	v22 =	vld.idx.msk [tilespmem:v28+s23+$0x0], $0xffff;
	[tilespmem:s14+$0x100] =	vst v27  }
0xef: {  	_ =	sdelay $0x3  }
0xf0: {  	v15 =	vld.idx.msk [tilespmem:v15+s23+$0x0], $0xffff;
	_ =	sdelay $0x1  }
0xf1: {  	[tilespmem:s8+$0x180] =	vst v20  }
0xf2: {  	[tilespmem:s11+$0x180] =	vst v21;
	v20 =	vld.idx.msk [tilespmem:v23+s23+$0x0], $0xffff  }
0xf3: {  	v59 =	vadd.s32 $0x1400, v1;
	[tilespmem:s13+$0x180] =	vst v22;
	v12 =	vld.idx.msk [tilespmem:v12+s23+$0x0], $0xffff  }
0xf4: {  	[tilespmem:s14+$0x180] =	vst v15;
	v11 =	vld.idx.msk [tilespmem:v11+s23+$0x0], $0xffff  }
0xf5: {  	v13 =	vld.idx.msk [tilespmem:v13+s23+$0x0], $0xffff;
	_ =	sdelay $0x1  }
0xf6: {  	[tilespmem:s8+$0x200] =	vst v20  }
0xf7: {  	v60 =	vld.idx.msk [tilespmem:v59+s23+$0x0], $0xffff;
	[tilespmem:s11+$0x200] =	vst v12  }
0xf8: {  	v61 =	vadd.s32 $0x1800, v1;
	[tilespmem:s13+$0x200] =	vst v11;
	v8 =	vld.idx.msk [tilespmem:v8+s23+$0x0], $0xffff  }
0xf9: {  	[tilespmem:s14+$0x200] =	vst v13;
	v10 =	vld.idx.msk [tilespmem:v10+s23+$0x0], $0xffff  }
0xfa: {  	v9 =	vld.idx.msk [tilespmem:v9+s23+$0x0], $0xffff  }
0xfb: {  	[tilespmem:s20+$0x300] =	vst v19  }
0xfc: {  	[tilespmem:s8+$0x280] =	vst v60  }
0xfd: {  	v62 =	vld.idx.msk [tilespmem:v61+s23+$0x0], $0xffff;
	[tilespmem:s11+$0x280] =	vst v8  }
0xfe: {  	v1 =	vadd.s32 $0x1C00, v1;
	[tilespmem:s13+$0x280] =	vst v10;
	v5 =	vld.idx.msk [tilespmem:v5+s23+$0x0], $0xffff  }
0xff: {  	[tilespmem:s14+$0x280] =	vst v9;
	v6 =	vld.idx.msk [tilespmem:v6+s23+$0x0], $0xffff  }
0x100: {  	[tilespmem:s22+$0x300] =	vst v17;
	v7 =	vld.idx.msk [tilespmem:v7+s23+$0x0], $0xffff  }
0x101: {  	v2 =	vld.idx.msk [tilespmem:v2+s23+$0x0], $0xffff;
	[tilespmem:s7+$0x380] =	vst v18  }
0x102: {  	v3 =	vld.idx.msk [tilespmem:v3+s23+$0x0], $0xffff;
	[tilespmem:s8+$0x300] =	vst v62  }
0x103: {  	v1 =	vld.idx.msk [tilespmem:v1+s23+$0x0], $0xffff;
	[tilespmem:s11+$0x300] =	vst v5  }
0x104: {  	v4 =	vld.idx.msk [tilespmem:v4+s23+$0x0], $0xffff;
	[tilespmem:s13+$0x300] =	vst v6  }
0x105: {  	v63 =	vld.idx.msk [tilespmem:v16+s23+$0x0], $0xffff;
	[tilespmem:s14+$0x300] =	vst v7  }
0x106: {  	[tilespmem:s20+$0x380] =	vst v2;
	v2 =	vld.idx.msk [tilespmem:v14+s23+$0x0], $0xffff  }
0x107: {  	s4 =	smul.u32 $0x1F40, s19;
	[tilespmem:s22+$0x380] =	vst v3  }
0x108: {  	[tilespmem:s8+$0x380] =	vst v1  }
0x109: {  	s4 =	sadd.s32 s31, s4;
	[tilespmem:s11+$0x380] =	vst v4  }
0x10a: {  	s4 =	sshll.u32 s4, $0x4;
	[tilespmem:s13+$0x380] =	vst v63  }
0x10b: {  	s5 =	simm.s32 $0xFF80;
	s4 =	sadd.s32 s2, s4;
	[tilespmem:s14+$0x380] =	vst v2  }
0x10c: {  	[hbm4b:s4+s3] =	stream.linear.scatter [tilespmem:s5], [sflag:$0x3], $0x2000, $0x38;
	[tilespmem:$0x14000] =	vst v63  }
.LBB2_9:
0x10d: {  	s4 =	sadd.s32 s18, s0  }
0x10e: {  	s18 =	sadd.s32 $0x1, s4  }
0x10f: {  	p2 =	sge.s32 s18, s16  }
.Ltmp10:
0x110: {  	_ = 	snop;
	(pc) =	sbr.rel @p2 .LBB2_13-.Ltmp10, $1  }
0x111: {  	_ =	sdelay $0x3  }
0x112: {  	s4 =	simm.s32 @!p1 $0x4  }
0x113: {  	s5 =	sshll.u32 s18, $0xC;
	s6 =	simm.s32 $0x0;
	_ =	swait.ge @!p1 [sflag:s4], $0x2000  }
0x114: {  	s5 =	sshra.s32 s5, $0x2;
	s7 =	sand.u32 $0x380, s6;
	s8 =	sand.u32 $0x40, s6  }
0x115: {  	[sflag:s4] =	ssyncset.done @!p1 $0x0;
	s7 =	sadd.s32 s7, s5;
	s9 =	sor.u32 $0x30, s8  }
0x116: {  	[sflag:s4] =	ssyncadd.s32 @!p1 $0xFFFFE000;
	s28 =	sadd.s32 s9, s7  }
0x117: {  	s29 =	sor.u32 $0x10, s8;
	s10 =	sadd.s32 s8, s7;
	v5 =	vld [tilespmem:s28+$0x0]  }
0x118: {  	s12 =	sor.u32 $0x20, s8;
	s11 =	sadd.s32 s29, s7;
	v4 =	vld [tilespmem:s10+$0x0]  }
0x119: {  	s7 =	sadd.s32 s12, s7;
	v2 =	vld [tilespmem:s11+$0x0]  }
0x11a: {  	v3 =	vld [tilespmem:s7+$0x0];
	_ =	sdelay $0x4  }
0x11b: {  	v1 =	vld.idx.msk [tilespmem:v5+s23+$0x0], $0xffff  }
0x11c: {  	s6 =	sand.u32 $0x7000, s6;
	v6 =	vadd.s32 $0x400, v5;
	v7 =	vld.idx.msk [tilespmem:v4+s23+$0x0], $0xffff  }
0x11d: {  	s6 =	sshrl.u32 s6, $0x2;
	v8 =	vadd.s32 $0x400, v4;
	v9 =	vld.idx.msk [tilespmem:v2+s23+$0x0], $0xffff  }
0x11e: {  	s6 =	sadd.s32 $0x11F80, s6;
	v10 =	vadd.s32 $0x400, v2;
	v11 =	vld.idx.msk [tilespmem:v3+s23+$0x0], $0xffff  }
0x11f: {  	s15 =	sor.u32 s9, s6;
	v12 =	vadd.s32 $0x400, v3  }
0x120: {  	s7 =	sor.u32 s8, s6;
	[tilespmem:s15+$0x0] =	vst v1  }
0x121: {  	s19 =	sor.u32 s29, s6;
	[tilespmem:s7+$0x0] =	vst v7;
	v1 =	vld.idx.msk [tilespmem:v6+s23+$0x0], $0xffff  }
0x122: {  	s20 =	sor.u32 s12, s6;
	[tilespmem:s19+$0x0] =	vst v9;
	v6 =	vadd.s32 $0x800, v5;
	v7 =	vld.idx.msk [tilespmem:v8+s23+$0x0], $0xffff  }
0x123: {  	[tilespmem:s20+$0x0] =	vst v11;
	v8 =	vadd.s32 $0x800, v4;
	v9 =	vld.idx.msk [tilespmem:v10+s23+$0x0], $0xffff  }
0x124: {  	v10 =	vadd.s32 $0x800, v2;
	v11 =	vld.idx.msk [tilespmem:v12+s23+$0x0], $0xffff  }
0x125: {  	v12 =	vadd.s32 $0x800, v3  }
0x126: {  	[tilespmem:s15+$0x80] =	vst v1  }
0x127: {  	[tilespmem:s7+$0x80] =	vst v7;
	v1 =	vld.idx.msk [tilespmem:v6+s23+$0x0], $0xffff  }
0x128: {  	s12 =	simm.s32 $0x40;
	[tilespmem:s19+$0x80] =	vst v9;
	v6 =	vadd.s32 $0xC00, v5;
	v7 =	vld.idx.msk [tilespmem:v8+s23+$0x0], $0xffff  }
0x129: {  	s13 =	sand.u32 $0x380, s12;
	s4 =	sand.u32 $0x40, s12;
	[tilespmem:s20+$0x80] =	vst v11;
	v8 =	vadd.s32 $0xC00, v4;
	v9 =	vld.idx.msk [tilespmem:v10+s23+$0x0], $0xffff  }
0x12a: {  	s6 =	sadd.s32 s13, s5;
	s14 =	sor.u32 $0x30, s4;
	v10 =	vadd.s32 $0xC00, v2;
	v11 =	vld.idx.msk [tilespmem:v12+s23+$0x0], $0xffff  }
0x12b: {  	s21 =	sadd.s32 s14, s6;
	v12 =	vadd.s32 $0xC00, v3  }
0x12c: {  	[tilespmem:s15+$0x100] =	vst v1;
	v1 =	vld [tilespmem:s21+$0x0]  }
0x12d: {  	[tilespmem:s7+$0x100] =	vst v7;
	v6 =	vld.idx.msk [tilespmem:v6+s23+$0x0], $0xffff  }
0x12e: {  	v7 =	vadd.s32 $0x1000, v5;
	[tilespmem:s19+$0x100] =	vst v9;
	v8 =	vld.idx.msk [tilespmem:v8+s23+$0x0], $0xffff  }
0x12f: {  	[tilespmem:s20+$0x100] =	vst v11;
	v9 =	vld.idx.msk [tilespmem:v10+s23+$0x0], $0xffff  }
0x130: {  	s22 =	sor.u32 $0x10, s4;
	s28 =	sor.u32 $0x20, s4;
	s24 =	sadd.s32 s4, s6;
	v11 =	vadd.s32 $0x1000, v4;
	v10 =	vld.idx.msk [tilespmem:v12+s23+$0x0], $0xffff  }
0x131: {  	s25 =	sadd.s32 s22, s6;
	s6 =	sadd.s32 s28, s6;
	v14 =	vld [tilespmem:s24+$0x0];
	v12 =	vadd.s32 $0x1000, v3  }
0x132: {  	v22 =	vld [tilespmem:s6+$0x0];
	[tilespmem:s15+$0x180] =	vst v6  }
0x133: {  	v6 =	vadd.s32 $0x1000, v2;
	v7 =	vld.idx.msk [tilespmem:v7+s23+$0x0], $0xffff  }
0x134: {  	v16 =	vld [tilespmem:s25+$0x0];
	v13 =	vadd.s32 $0x1400, v5;
	[tilespmem:s7+$0x180] =	vst v8  }
0x135: {  	[tilespmem:s20+$0x180] =	vst v10;
	v8 =	vld.idx.msk [tilespmem:v11+s23+$0x0], $0xffff  }
0x136: {  	[tilespmem:s19+$0x180] =	vst v9;
	v9 =	vld.idx.msk [tilespmem:v12+s23+$0x0], $0xffff  }
0x137: {  	s9 =	simm.s32 $0x800;
	v12 =	vld.idx.msk [tilespmem:v1+s23+$0x0], $0xffff  }
0x138: {  	s29 =	sand.u32 $0x7000, s9;
	v6 =	vld.idx.msk [tilespmem:v6+s23+$0x0], $0xffff;
	[tilespmem:s15+$0x200] =	vst v7;
	v7 =	vadd.s32 $0x1400, v4  }
0x139: {  	s6 =	sshrl.u32 s29, $0x2;
	v11 =	vadd.s32 $0x1400, v2;
	v10 =	vld.idx.msk [tilespmem:v13+s23+$0x0], $0xffff  }
0x13a: {  	s6 =	sadd.s32 $0x11F80, s6;
	v18 =	vadd.s32 $0x400, v1;
	[tilespmem:s7+$0x200] =	vst v8;
	v13 =	vld.idx.msk [tilespmem:v14+s23+$0x0], $0xffff  }
0x13b: {  	v15 =	vadd.s32 $0x1800, v5;
	s8 =	sor.u32 s14, s6;
	v19 =	vld.idx.msk [tilespmem:v22+s23+$0x0], $0xffff;
	[tilespmem:s20+$0x200] =	vst v9  }
0x13c: {  	v17 =	vld.idx.msk [tilespmem:v16+s23+$0x0], $0xffff;
	v9 =	vadd.s32 $0x400, v22;
	[tilespmem:s8+$0x0] =	vst v12  }
0x13d: {  	v8 =	vadd.s32 $0x400, v14;
	[tilespmem:s19+$0x200] =	vst v6;
	v7 =	vld.idx.msk [tilespmem:v7+s23+$0x0], $0xffff  }
0x13e: {  	s11 =	sor.u32 s4, s6;
	v6 =	vadd.s32 $0x400, v16;
	v11 =	vld.idx.msk [tilespmem:v11+s23+$0x0], $0xffff;
	[tilespmem:s15+$0x280] =	vst v10  }
0x13f: {  	s14 =	sor.u32 s28, s6;
	v10 =	vadd.s32 $0x1400, v3;
	[tilespmem:s11+$0x0] =	vst v13;
	v13 =	vld.idx.msk [tilespmem:v18+s23+$0x0], $0xffff  }
0x140: {  	s13 =	sor.u32 s22, s6;
	[tilespmem:s14+$0x0] =	vst v19;
	v12 =	vld.idx.msk [tilespmem:v15+s23+$0x0], $0xffff;
	v15 =	vadd.s32 $0x1800, v4  }
0x141: {  	[tilespmem:s13+$0x0] =	vst v17;
	v17 =	vadd.s32 $0x800, v1;
	v9 =	vld.idx.msk [tilespmem:v9+s23+$0x0], $0xffff  }
0x142: {  	v5 =	vadd.s32 $0x1C00, v5;
	v8 =	vld.idx.msk [tilespmem:v8+s23+$0x0], $0xffff  }
0x143: {  	v18 =	vadd.s32 $0x800, v14;
	v6 =	vld.idx.msk [tilespmem:v6+s23+$0x0], $0xffff;
	[tilespmem:s7+$0x280] =	vst v7  }
0x144: {  	v7 =	vadd.s32 $0x800, v16;
	[tilespmem:s19+$0x280] =	vst v11;
	v10 =	vld.idx.msk [tilespmem:v10+s23+$0x0], $0xffff  }
0x145: {  	v11 =	vadd.s32 $0x800, v22;
	[tilespmem:s8+$0x80] =	vst v13;
	v15 =	vld.idx.msk [tilespmem:v15+s23+$0x0], $0xffff  }
0x146: {  	[tilespmem:s15+$0x300] =	vst v12;
	v12 =	vadd.s32 $0x1800, v2;
	v20 =	vld.idx.msk [tilespmem:v17+s23+$0x0], $0xffff  }
0x147: {  	v13 =	vadd.s32 $0x1800, v3;
	[tilespmem:s11+$0x80] =	vst v8;
	v5 =	vld.idx.msk [tilespmem:v5+s23+$0x0], $0xffff  }
0x148: {  	v4 =	vadd.s32 $0x1C00, v4;
	v21 =	vld.idx.msk [tilespmem:v18+s23+$0x0], $0xffff;
	[tilespmem:s13+$0x80] =	vst v6  }
0x149: {  	[tilespmem:s14+$0x80] =	vst v9;
	v6 =	vadd.s32 $0xC00, v1;
	v23 =	vld.idx.msk [tilespmem:v7+s23+$0x0], $0xffff  }
0x14a: {  	v24 =	vadd.s32 $0xC00, v14;
	v25 =	vld.idx.msk [tilespmem:v11+s23+$0x0], $0xffff;
	[tilespmem:s20+$0x280] =	vst v10  }
0x14b: {  	v26 =	vadd.s32 $0xC00, v16;
	v9 =	vadd.s32 $0x1400, v22;
	[tilespmem:s7+$0x300] =	vst v15;
	v19 =	vld.idx.msk [tilespmem:v12+s23+$0x0], $0xffff  }
0x14c: {  	v3 =	vadd.s32 $0x1C00, v3;
	v2 =	vadd.s32 $0x1C00, v2;
	v15 =	vadd.s32 $0xC00, v22;
	v17 =	vld.idx.msk [tilespmem:v13+s23+$0x0], $0xffff;
	[tilespmem:s8+$0x100] =	vst v20  }
0x14d: {  	v8 =	vadd.s32 $0x1400, v14;
	v11 =	vadd.s32 $0x1000, v16;
	v7 =	vadd.s32 $0x1800, v22;
	[tilespmem:s15+$0x380] =	vst v5;
	v18 =	vld.idx.msk [tilespmem:v4+s23+$0x0], $0xffff  }
0x14e: {  	v10 =	vadd.s32 $0x1400, v16;
	v12 =	vadd.s32 $0x1000, v14;
	v13 =	vadd.s32 $0x1000, v22;
	[tilespmem:s11+$0x100] =	vst v21;
	v20 =	vld.idx.msk [tilespmem:v6+s23+$0x0], $0xffff  }
0x14f: {  	v5 =	vadd.s32 $0x1800, v14;
	v4 =	vadd.s32 $0x1C00, v14;
	v14 =	vadd.s32 $0x1C00, v22;
	v21 =	vld.idx.msk [tilespmem:v24+s23+$0x0], $0xffff;
	[tilespmem:s13+$0x100] =	vst v23  }
0x150: {  	s21 =	simm.s32 $0x4;
	s15 =	simm.s32 $0x80;
	v6 =	vadd.s32 $0x1800, v16;
	v16 =	vadd.s32 $0x1C00, v16;
	[tilespmem:s14+$0x100] =	vst v25;
	v23 =	vadd.s32 $0x1000, v1;
	v22 =	vld.idx.msk [tilespmem:v26+s23+$0x0], $0xffff  }
.LBB2_11:
0x151: {  	s4 =	sand.u32 $0x380, s15;
	s22 =	sand.u32 $0x40, s15;
	v15 =	vld.idx.msk [tilespmem:v15+s23+$0x0], $0xffff;
	[tilespmem:s19+$0x300] =	vst v19  }
0x152: {  	s21 =	sadd.s32 $0x4, s21;
	s10 =	sadd.s32 s4, s5;
	s28 =	sor.u32 $0x30, s22;
	v19 =	vld.idx.msk [tilespmem:v2+s23+$0x0], $0xffff;
	[tilespmem:s20+$0x300] =	vst v17;
	v2 =	vmov v16  }
0x153: {  	s4 =	sor.u32 $0x10, s22;
	p1 =	slt.u32 s21, $0x3C;
	s12 =	sadd.s32 s28, s10;
	[tilespmem:s7+$0x380] =	vst v18;
	v16 =	vld.idx.msk [tilespmem:v3+s23+$0x0], $0xffff;
	v3 =	vmov v14  }
0x154: {  	s6 =	sor.u32 $0x20, s22;
	s24 =	sadd.s32 s22, s10;
	s25 =	sadd.s32 s4, s10;
	v17 =	vld [tilespmem:s12+$0x0];
	[tilespmem:s8+$0x180] =	vst v20  }
0x155: {  	s10 =	sadd.s32 s6, s10;
	s7 =	smov.u32 s11;
	[tilespmem:s11+$0x180] =	vst v21;
	v14 =	vld.idx.msk [tilespmem:v23+s23+$0x0], $0xffff  }
0x156: {  	v18 =	vld [tilespmem:s24+$0x0];
	[tilespmem:s13+$0x180] =	vst v22  }
0x157: {  	v20 =	vld [tilespmem:s25+$0x0];
	[tilespmem:s14+$0x180] =	vst v15;
	v15 =	vadd.s32 $0x1400, v1  }
0x158: {  	v21 =	vld [tilespmem:s10+$0x0];
	[tilespmem:s19+$0x380] =	vst v19;
	s19 =	smov.u32 s13  }
0x159: {  	v19 =	vld.idx.msk [tilespmem:v12+s23+$0x0], $0xffff;
	[tilespmem:s20+$0x380] =	vst v16;
	s20 =	smov.u32 s14  }
0x15a: {  	v16 =	vld.idx.msk [tilespmem:v11+s23+$0x0], $0xffff  }
0x15b: {  	v22 =	vadd.s32 $0x400, v18;
	v23 =	vadd.s32 $0x800, v18;
	v24 =	vadd.s32 $0xC00, v18;
	v25 =	vld.idx.msk [tilespmem:v13+s23+$0x0], $0xffff;
	[tilespmem:s8+$0x200] =	vst v14  }
0x15c: {  	v26 =	vadd.s32 $0x400, v20;
	v27 =	vadd.s32 $0x800, v20;
	v28 =	vadd.s32 $0xC00, v20;
	v29 =	vld.idx.msk [tilespmem:v15+s23+$0x0], $0xffff  }
0x15d: {  	v30 =	vadd.s32 $0x400, v21;
	v31 =	vadd.s32 $0x800, v21;
	v15 =	vadd.s32 $0xC00, v21;
	v32 =	vld.idx.msk [tilespmem:v17+s23+$0x0], $0xffff  }
0x15e: {  	v34 =	vadd.s32 $0x1800, v1;
	s9 =	sadd.s32 $0x800, s9;
	v12 =	vadd.s32 $0x1000, v18;
	v11 =	vadd.s32 $0x1000, v20;
	v33 =	vld.idx.msk [tilespmem:v18+s23+$0x0], $0xffff  }
0x15f: {  	s10 =	sand.u32 $0x7000, s9;
	v36 =	vadd.s32 $0x400, v17;
	v14 =	vadd.s32 $0x1400, v18;
	v13 =	vadd.s32 $0x1000, v21;
	v35 =	vld.idx.msk [tilespmem:v20+s23+$0x0], $0xffff;
	[tilespmem:s7+$0x200] =	vst v19  }
0x160: {  	s10 =	sshrl.u32 s10, $0x2;
	v37 =	vadd.s32 $0x1400, v20;
	v39 =	vadd.s32 $0x1400, v21;
	v19 =	vadd.s32 $0x1800, v18;
	v38 =	vld.idx.msk [tilespmem:v21+s23+$0x0], $0xffff;
	[tilespmem:s19+$0x200] =	vst v16  }
0x161: {  	s10 =	sadd.s32 $0x11F80, s10;
	v40 =	vadd.s32 $0x1C00, v18;
	v41 =	vadd.s32 $0x1800, v21;
	v18 =	vadd.s32 $0x1800, v20;
	v42 =	vld.idx.msk [tilespmem:v8+s23+$0x0], $0xffff;
	[tilespmem:s20+$0x200] =	vst v25;
	v8 =	vmovc v14  }
0x162: {  	s11 =	sor.u32 s22, s10;
	s13 =	sor.u32 s4, s10;
	s4 =	sor.u32 s28, s10;
	v16 =	vadd.s32 $0x1C00, v20;
	v14 =	vadd.s32 $0x1C00, v21;
	v20 =	vld.idx.msk [tilespmem:v10+s23+$0x0], $0xffff;
	[tilespmem:s8+$0x280] =	vst v29;
	v10 =	vmov v37  }
0x163: {  	s14 =	sor.u32 s6, s10;
	[tilespmem:s4+$0x0] =	vst v32;
	v21 =	vld.idx.msk [tilespmem:v34+s23+$0x0], $0xffff  }
0x164: {  	[tilespmem:s11+$0x0] =	vst v33;
	v25 =	vld.idx.msk [tilespmem:v36+s23+$0x0], $0xffff  }
0x165: {  	v29 =	vadd.s32 $0x1C00, v1;
	v1 =	vmov v17;
	v22 =	vld.idx.msk [tilespmem:v22+s23+$0x0], $0xffff;
	[tilespmem:s13+$0x0] =	vst v35  }
0x166: {  	v17 =	vld.idx.msk [tilespmem:v26+s23+$0x0], $0xffff;
	[tilespmem:s14+$0x0] =	vst v38;
	v26 =	vadd.s32 $0x800, v1  }
0x167: {  	v30 =	vld.idx.msk [tilespmem:v30+s23+$0x0], $0xffff;
	[tilespmem:s7+$0x280] =	vst v42  }
0x168: {  	[tilespmem:s19+$0x280] =	vst v20;
	v20 =	vld.idx.msk [tilespmem:v9+s23+$0x0], $0xffff;
	v9 =	vmov v39  }
0x169: {  	v32 =	vld.idx.msk [tilespmem:v5+s23+$0x0], $0xffff;
	[tilespmem:s8+$0x300] =	vst v21;
	v5 =	vmov v19  }
0x16a: {  	[tilespmem:s4+$0x80] =	vst v25;
	v21 =	vld.idx.msk [tilespmem:v29+s23+$0x0], $0xffff  }
0x16b: {  	[tilespmem:s11+$0x80] =	vst v22;
	v22 =	vld.idx.msk [tilespmem:v26+s23+$0x0], $0xffff  }
0x16c: {  	v23 =	vld.idx.msk [tilespmem:v23+s23+$0x0], $0xffff;
	[tilespmem:s13+$0x80] =	vst v17  }
0x16d: {  	v26 =	vadd.s32 $0xC00, v1;
	v25 =	vld.idx.msk [tilespmem:v27+s23+$0x0], $0xffff;
	[tilespmem:s14+$0x80] =	vst v30  }
0x16e: {  	v27 =	vld.idx.msk [tilespmem:v31+s23+$0x0], $0xffff;
	[tilespmem:s20+$0x280] =	vst v20  }
0x16f: {  	[tilespmem:s7+$0x300] =	vst v32;
	v19 =	vld.idx.msk [tilespmem:v6+s23+$0x0], $0xffff;
	v6 =	vmov v18  }
.Ltmp11:
0x170: {  	v17 =	vld.idx.msk [tilespmem:v7+s23+$0x0], $0xffff;
	[tilespmem:s8+$0x380] =	vst v21;
	v7 =	vmov v41;
	s8 =	smov.u32 s4;
	(pc) =	sbr.rel @p1 .LBB2_11-.Ltmp11, $4  }
0x171: {  	[tilespmem:s8+$0x100] =	vst v22;
	v18 =	vld.idx.msk [tilespmem:v4+s23+$0x0], $0xffff;
	v4 =	vmov v40  }
0x172: {  	[tilespmem:s11+$0x100] =	vst v23;
	v20 =	vld.idx.msk [tilespmem:v26+s23+$0x0], $0xffff  }
0x173: {  	v21 =	vld.idx.msk [tilespmem:v24+s23+$0x0], $0xffff;
	[tilespmem:s13+$0x100] =	vst v25  }
0x174: {  	s15 =	sadd.s32 $0x40, s15;
	v23 =	vadd.s32 $0x1000, v1;
	v22 =	vld.idx.msk [tilespmem:v28+s23+$0x0], $0xffff;
	[tilespmem:s14+$0x100] =	vst v27  }
.Ltmp12:
0x175: {  	_ = 	snop;
	(pc) =	sbr.rel .LBB2_12-.Ltmp12, $1  }
0x176: {  	_ =	sdelay $0x3  }
.LBB2_14:
0x177: {  	s0 =	ssub.s32 s16, s0  }
0x178: {  	p1 =	slt.s32 s0, $0x2  }
.Ltmp13:
0x179: {  	_ = 	snop;
	(pc) =	sbr.rel @!p1 .LBB2_15-.Ltmp13, $1  }
0x17a: {  	_ =	sdelay $0x3  }
0x17b: {  	p1 =	sne.s32 s0, $0x1  }
.Ltmp14:
0x17c: {  	_ = 	snop;
	(pc) =	sbr.rel @p1 .LBB2_18-.Ltmp14, $4  }
.Ltmp15:
0x17d: {  	_ = 	snop;
	(pc) =	sbr.rel @!p1 .LBB2_17-.Ltmp15, $4  }
0x17e: {  	_ = 	snop  }
0x17f: {  	_ = 	snop  }
0x180: {  	s0 =	simm.s32 $0x3  }
0x181: {  	_ = 	snop  }
.LBB2_22:
0x182: {  	_ =	sfence.sel $0x180000  }
0x183: {  	[bflag:$0x0] =	sbarrier.arrive $0xFFFF  }
0x184: {  	_ =	strace $0x90000047  }
0x185: {  	s0 =	stileid.u32;
	[bflag:$0x2] =	sbarrier.arrive $0xFFFF  }
0x186: {  	p0 =	sne.s32 s0, $0x0;
	s0 =	rddreg [dreg:$0x2]  }
0x187: {  	s0 =	sadd.s32 @!p0 $0x100000, s0  }
0x188: {  	[sflag:s0] =	ssyncadd.tile.s32 @!p0 $0x1;
	_ =	shalt  }
.Lfunc_end2:
_tile_overlayer_lowered:
.L_overlay_start_2:
0x189: {  	(tag) =	ssettag $0x2  }
0x18a: {  	s0 =	rddreg [dreg:$0x0];
	s2 =	stileid.u32  }
0x18b: {  	s1 =	rddreg [dreg:$0x1];
	p0 =	sne.s32 s2, $0x0  }
0x18c: {  	s3 =	rddreg [dreg:$0x2];
	[bflag:$0x3] =	sbarrier.arrive $0xFFFF;
	s2 =	simm.s32 @!p0 $0x1C05  }
0x18d: {  	[timem:s3], [sflag:s2] =	dma.local @!p0 [hbm:s0], s1  }
0x18e: {  	s0 =	simm.s32 @!p0 $0x5  }
0x18f: {  	_ =	swait.ge @!p0 [sflag:s0], s1  }
0x190: {  	s1 =	ssub.s32 @!p0 $0x0, s1;
	[sflag:s0] =	ssyncset.done @!p0 $0x0  }
0x191: {  	[sflag:s0] =	ssyncadd.s32 @!p0 s1  }
0x192: {  	[bflag:$0x3] =	sbarrier.arrive $0xFFFF  }
0x193: {  	_ =	shalt  }

</sc_bundles>
